<compile_context>
chip_gen: v7x
topology: tpu7x:2x2x1
jax: 0.10.2.dev20260603
libtpu: 0.0.44.dev20260713+nightly
codegen_flags: <defaults>
</compile_context>

<pallas_src>
import functools

import jax
import jax.numpy as jnp
from jax import lax
from jax.experimental import pallas as pl
from jax.experimental.pallas import tpu as pltpu
from jax.experimental.pallas import tpu_sc as plsc

N = 10000
E = 320000
D_OBS = 128
HID = 256
MID = 128
LSTM_D = 128
OUT = 128
RFM = 256
LAST = 128
LH = 128
ACT = 16

W = 144
WT = 144
NS = 16
NC = 2
K = 80
EPT = E // NS
NCHUNK = EPT // K
NP = 10240
RPT = NP // NS

R1 = 2000
R2 = 2000

_HI = jax.lax.Precision.DEFAULT


def _sigmoid(x):
    return 1.0 / (1.0 + jnp.exp(-x))


def _tc1_body(obs, h, c, w1at, b1a, w1bt, b1b, wiht, whht, bg, wm1t, bm1,
              wst, wdt, be_, h_o, c_o, nf_o, a_o, b_o):
    x = jnp.maximum(jnp.dot(obs[...], w1at[...], precision=_HI) + b1a[...], 0.0)
    x = jnp.dot(x, w1bt[...], precision=_HI) + b1b[...]
    g = (jnp.dot(x, wiht[...], precision=_HI)
         + jnp.dot(h[...], whht[...], precision=_HI) + bg[...])
    i_g = _sigmoid(g[:, :LSTM_D])
    f_g = _sigmoid(g[:, LSTM_D:2 * LSTM_D])
    g_g = jnp.tanh(g[:, 2 * LSTM_D:3 * LSTM_D])
    o_g = _sigmoid(g[:, 3 * LSTM_D:])
    c_new = f_g * c[...] + i_g * g_g
    h_new = o_g * jnp.tanh(c_new)
    nf = jnp.dot(jnp.maximum(h_new, 0.0), wm1t[...], precision=_HI) + bm1[...]
    a_full = jnp.dot(nf, wst[...], precision=_HI)
    b_full = jnp.dot(nf, wdt[...], precision=_HI) + be_[...]
    h_o[...] = h_new
    c_o[...] = c_new
    nf_o[...] = nf
    rows = a_full.shape[0]
    colid = lax.broadcasted_iota(jnp.int32, (rows, 16), 1)
    pad_one = jnp.where(colid == 0, 1.0, 0.0).astype(jnp.float32)
    pad_zero = jnp.zeros((rows, 16), jnp.float32)
    a_o[0] = jnp.concatenate([a_full[:, :128], pad_one], axis=1)
    a_o[1] = jnp.concatenate([a_full[:, 128:], pad_one], axis=1)
    b_o[0] = jnp.concatenate([b_full[:, :128], pad_zero], axis=1)
    b_o[1] = jnp.concatenate([b_full[:, 128:], pad_zero], axis=1)


def _tc1(obs, h, c, w1at, b1a, w1bt, b1b, wiht, whht, bg, wm1t, bm1, wst, wdt, be_):
    grid = (N // R1,)
    row = lambda i: (i, 0)
    fixed = lambda i: (0, 0)
    out3 = lambda i: (0, i, 0)
    return pl.pallas_call(
        _tc1_body,
        grid=grid,
        in_specs=[
            pl.BlockSpec((R1, D_OBS), row),
            pl.BlockSpec((R1, LSTM_D), row),
            pl.BlockSpec((R1, LSTM_D), row),
            pl.BlockSpec((D_OBS, HID), fixed),
            pl.BlockSpec((1, HID), fixed),
            pl.BlockSpec((HID, MID), fixed),
            pl.BlockSpec((1, MID), fixed),
            pl.BlockSpec((MID, 4 * LSTM_D), fixed),
            pl.BlockSpec((LSTM_D, 4 * LSTM_D), fixed),
            pl.BlockSpec((1, 4 * LSTM_D), fixed),
            pl.BlockSpec((LSTM_D, OUT), fixed),
            pl.BlockSpec((1, OUT), fixed),
            pl.BlockSpec((OUT, RFM), fixed),
            pl.BlockSpec((OUT, RFM), fixed),
            pl.BlockSpec((1, RFM), fixed),
        ],
        out_specs=[
            pl.BlockSpec((R1, LSTM_D), row),
            pl.BlockSpec((R1, LSTM_D), row),
            pl.BlockSpec((R1, OUT), row),
            pl.BlockSpec((NC, R1, WT), out3),
            pl.BlockSpec((NC, R1, WT), out3),
        ],
        out_shape=[
            jax.ShapeDtypeStruct((N, LSTM_D), jnp.float32),
            jax.ShapeDtypeStruct((N, LSTM_D), jnp.float32),
            jax.ShapeDtypeStruct((N, OUT), jnp.float32),
            jax.ShapeDtypeStruct((NC, N, WT), jnp.float32),
            jax.ShapeDtypeStruct((NC, N, WT), jnp.float32),
        ],
    )(obs, h, c, w1at, b1a, w1bt, b1b, wiht, whht, bg, wm1t, bm1, wst, wdt, be_)


def _sc_body(a_tab, b_tab, gidx, dst1, zeros_hbm, m_out,
             gbuf0, gbuf1, sbuf0, sbuf1, abuf0, abuf1, acc,
             semg0, semg1, sems0, sems1, semi):
    c = lax.axis_index("c")
    s = lax.axis_index("s")
    rb = s * RPT
    pltpu.sync_copy(zeros_hbm.at[pl.ds(rb, RPT)], acc.at[pl.ds(rb, RPT)])
    plsc.subcore_barrier()

    GBUF = [gbuf0, gbuf1]
    SBUF = [sbuf0, sbuf1]
    ABUF = [abuf0, abuf1]
    SEMG = [semg0, semg1]
    SEMS = [sems0, sems1]

    gbase = c * (NS * NCHUNK) + s * NCHUNK
    ebase = s * EPT

    def fetch_idx(k, slot):
        pltpu.async_copy(gidx.at[pl.ds((gbase + k) * 2 * K, 2 * K)],
                         GBUF[slot], semi)
        pltpu.async_copy(dst1.at[pl.ds(ebase + k * K, K)], SBUF[slot], semi)

    def wait_idx(slot):
        pltpu.make_async_copy(gidx.at[pl.ds(0, 2 * K)], GBUF[slot], semi).wait()
        pltpu.make_async_copy(dst1.at[pl.ds(0, K)], SBUF[slot], semi).wait()

    def start_a(slot):
        pltpu.async_copy(a_tab.at[GBUF[slot].at[pl.ds(0, K)]], ABUF[slot],
                         SEMG[slot])

    def start_b_add(slot):
        pltpu.async_copy(b_tab.at[GBUF[slot].at[pl.ds(K, K)]], ABUF[slot],
                         SEMG[slot], add=True)

    def wait_g(slot):
        pltpu.make_async_copy(a_tab.at[pl.ds(0, K)], ABUF[slot],
                              SEMG[slot]).wait()

    fetch_idx(0, 0)
    wait_idx(0)
    start_a(0)

    @pl.loop(0, NCHUNK // 2)
    def _pair(i):
        for b in range(2):
            p, q = b, 1 - b
            k = 2 * i + b

            wait_g(p)
            start_b_add(p)

            def drain_q():
                pltpu.make_async_copy(ABUF[q], acc.at[pl.ds(0, K)],
                                      SEMS[q]).wait()

            def prefetch():
                fetch_idx(k + 1, q)
                wait_idx(q)
                start_a(q)

            if b == 0:
                pl.when(i > 0)(drain_q)
                prefetch()
            else:
                drain_q()
                pl.when(i < NCHUNK // 2 - 1)(prefetch)

            wait_g(p)

            @pl.loop(0, K, unroll=2)
            def _relu(r):
                for j in range(128 // 16):
                    v = ABUF[p][r, pl.ds(j * 16, 16)]
                    ABUF[p][r, pl.ds(j * 16, 16)] = jnp.maximum(v, 0.0)

            pltpu.async_copy(ABUF[p], acc.at[SBUF[p]], SEMS[p], add=True)

    pltpu.make_async_copy(ABUF[1], acc.at[pl.ds(0, K)], SEMS[1]).wait()
    plsc.subcore_barrier()
    pltpu.sync_copy(acc.at[pl.ds(rb, RPT)], m_out.at[pl.ds(c * NP + rb, RPT)])


def _sc_edge(a_tab, b_tab, gidx, dst1, zeros_hbm):
    mesh = plsc.VectorSubcoreMesh(core_axis_name="c", subcore_axis_name="s")
    f = pl.kernel(
        _sc_body,
        out_type=jax.ShapeDtypeStruct((NC * NP, W), jnp.float32),
        mesh=mesh,
        scratch_types=[
            pltpu.VMEM((2 * K,), jnp.int32),
            pltpu.VMEM((2 * K,), jnp.int32),
            pltpu.VMEM((K,), jnp.int32),
            pltpu.VMEM((K,), jnp.int32),
            pltpu.VMEM((K, WT), jnp.float32),
            pltpu.VMEM((K, WT), jnp.float32),
            pltpu.VMEM_SHARED((NP, W), jnp.float32),
            pltpu.SemaphoreType.DMA,
            pltpu.SemaphoreType.DMA,
            pltpu.SemaphoreType.DMA,
            pltpu.SemaphoreType.DMA,
            pltpu.SemaphoreType.DMA,
        ],
        compiler_params=pltpu.CompilerParams(use_tc_tiling_on_sc=False),
    )
    return f(a_tab, b_tab, gidx, dst1, zeros_hbm)


def _tc2_body(m0, m1, nf, we2at, we2bt, be2r, wnat, wnbt, bnr, wn2t, bn2r,
              wrot, bror, wro2t, bro2r, q_o):
    h_agg = (jnp.dot(m0[...], we2at[...], precision=_HI)
             + jnp.dot(m1[...], we2bt[...], precision=_HI)
             + m0[:, 128:129] * be2r[...])
    nh = jnp.maximum(jnp.dot(nf[...], wnat[...], precision=_HI)
                     + jnp.dot(h_agg, wnbt[...], precision=_HI) + bnr[...], 0.0)
    node_out = jnp.dot(nh, wn2t[...], precision=_HI) + bn2r[...]
    qh = jnp.maximum(jnp.dot(node_out, wrot[...], precision=_HI) + bror[...], 0.0)
    q_o[...] = jnp.dot(qh, wro2t[...], precision=_HI) + bro2r[...]


def _tc2(m0, m1, nf, we2at, we2bt, be2r, wnat, wnbt, bnr, wn2t, bn2r,
         wrot, bror, wro2t, bro2r):
    grid = (N // R2,)
    row = lambda i: (i, 0)
    fixed = lambda i: (0, 0)
    return pl.pallas_call(
        _tc2_body,
        grid=grid,
        in_specs=[
            pl.BlockSpec((R2, W), row),
            pl.BlockSpec((R2, W), row),
            pl.BlockSpec((R2, OUT), row),
            pl.BlockSpec((W, LAST), fixed),
            pl.BlockSpec((W, LAST), fixed),
            pl.BlockSpec((1, LAST), fixed),
            pl.BlockSpec((OUT, RFM), fixed),
            pl.BlockSpec((LAST, RFM), fixed),
            pl.BlockSpec((1, RFM), fixed),
            pl.BlockSpec((RFM, LAST), fixed),
            pl.BlockSpec((1, LAST), fixed),
            pl.BlockSpec((LAST, LH), fixed),
            pl.BlockSpec((1, LH), fixed),
            pl.BlockSpec((LH, ACT), fixed),
            pl.BlockSpec((1, ACT), fixed),
        ],
        out_specs=[pl.BlockSpec((R2, ACT), row)],
        out_shape=[jax.ShapeDtypeStruct((N, ACT), jnp.float32)],
    )(m0, m1, nf, we2at, we2bt, be2r, wnat, wnbt, bnr, wn2t, bn2r,
      wrot, bror, wro2t, bro2r)


def kernel(obs, h0, c0, edge_index, W1a, b1a, W1b, b1b, W_ih, b_ih, W_hh, b_hh,
           Wm1, bm1, We, be, We2, be2, Wn, bn, Wn2, bn2, Wu, bu, Wu2, bu2,
           Wro, bro, Wro2, bro2):
    h = h0[0]
    c = c0[0]
    w1at = W1a.T
    w1bt = W1b.T
    wiht = W_ih.T
    whht = W_hh.T
    bg = (b_ih + b_hh)[None, :]
    wm1t = Wm1.T
    wst = We[:, :OUT].T
    wdt = We[:, OUT:].T

    h_new, c_new, nf, a_ext, b_ext = _tc1(
        obs, h, c, w1at, b1a[None, :], w1bt, b1b[None, :], wiht, whht, bg,
        wm1t, bm1[None, :], wst, wdt, be[None, :])

    a_tab = a_ext.reshape(NC * N, WT)
    b_tab = b_ext.reshape(NC * N, WT)
    src = edge_index[0]
    dst = edge_index[1]
    src_c = src.reshape(E // K, K)
    dst_c = dst.reshape(E // K, K)
    g0 = jnp.stack([src_c, dst_c], axis=1)
    gidx = jnp.stack([g0, g0 + N], axis=0).reshape(-1)
    zeros_hbm = jnp.zeros((NP, W), jnp.float32)

    m = _sc_edge(a_tab, b_tab, gidx, dst, zeros_hbm)

    p0 = jnp.zeros((W, LAST), jnp.float32).at[:128].set(We2[:, :LAST].T)
    p1 = jnp.zeros((W, LAST), jnp.float32).at[:128].set(We2[:, LAST:].T)

    q = _tc2(m[:N], m[NP:NP + N], nf,
             p0, p1, be2[None, :],
             Wn[:, :OUT].T, Wn[:, OUT:].T, bn[None, :],
             Wn2.T, bn2[None, :], Wro.T, bro[None, :], Wro2.T, bro2[None, :])[0]

    return q, h_new[None], c_new[None]

# --- scband reference (transcript-rebuilt; emitter-appended) ---
"""Pipeline reference for scband-oppo-model-net-88441966559674 (READ-ONLY COPY).

The authoritative reference and input builder live on the scoring server;
editing this copy changes nothing except your own understanding.
"""

import jax, jax.numpy as jnp
import numpy as np

N = 10000
E = 320000
D_OBS = 128
HID = 256
MID = 128
LSTM_D = 128
OUT = 128
LAST = 128
RFM = 256
LH = 128
ACT = 16


def setup_inputs(seed: int = 0):
    key = jax.random.key(seed)
    ks = jax.random.split(key, 40)

    def w(k, shape):
        return jax.random.normal(k, shape, dtype=jnp.float32) * 0.05

    inp = {}
    inp["obs"] = jax.random.normal(ks[0], (N, D_OBS), dtype=jnp.float32)
    inp["h0"] = jax.random.normal(ks[1], (1, N, LSTM_D), dtype=jnp.float32)
    inp["c0"] = jax.random.normal(ks[2], (1, N, LSTM_D), dtype=jnp.float32)
    inp["edge_index"] = jax.random.randint(ks[3], (2, E), 0, N, dtype=jnp.int32)
    inp["W1a"] = w(ks[4], (HID, D_OBS)); inp["b1a"] = w(ks[5], (HID,))
    inp["W1b"] = w(ks[6], (MID, HID)); inp["b1b"] = w(ks[7], (MID,))
    inp["W_ih"] = w(ks[8], (4 * LSTM_D, MID)); inp["b_ih"] = w(ks[9], (4 * LSTM_D,))
    inp["W_hh"] = w(ks[10], (4 * LSTM_D, LSTM_D)); inp["b_hh"] = w(ks[11], (4 * LSTM_D,))
    inp["Wm1"] = w(ks[12], (OUT, LSTM_D)); inp["bm1"] = w(ks[13], (OUT,))
    inp["We"] = w(ks[14], (RFM, 2 * OUT)); inp["be"] = w(ks[15], (RFM,))
    inp["We2"] = w(ks[16], (LAST, RFM)); inp["be2"] = w(ks[17], (LAST,))
    inp["Wn"] = w(ks[18], (RFM, LAST + OUT)); inp["bn"] = w(ks[19], (RFM,))
    inp["Wn2"] = w(ks[20], (LAST, RFM)); inp["bn2"] = w(ks[21], (LAST,))
    inp["Wu"] = w(ks[22], (RFM, 2 * LAST)); inp["bu"] = w(ks[23], (RFM,))
    inp["Wu2"] = w(ks[24], (LAST, RFM)); inp["bu2"] = w(ks[25], (LAST,))
    inp["Wro"] = w(ks[26], (LH, LAST)); inp["bro"] = w(ks[27], (LH,))
    inp["Wro2"] = w(ks[28], (ACT, LH)); inp["bro2"] = w(ks[29], (ACT,))
    return inp


def _forward(obs, h0, c0, W1a, b1a, W1b, b1b, W_ih, b_ih, W_hh, b_hh, Wm1, bm1,
             We, be, We2, be2, Wn, bn, Wn2, bn2, Wu, bu, Wu2, bu2,
             Wro, bro, Wro2, bro2, edge_index):
    # mlp1b(relu(mlp1a(obs)))
    x = jnp.maximum(obs @ W1a.T + b1a, 0.0)
    x = x @ W1b.T + b1b
    # single-step LSTM (batch_first, seq_len=1), PyTorch gate order i,f,g,o
    h_prev = h0[0]
    c_prev = c0[0]
    gates = x @ W_ih.T + b_ih + h_prev @ W_hh.T + b_hh
    i_g, f_g, g_g, o_g = jnp.split(gates, 4, axis=-1)
    i_g = jax.nn.sigmoid(i_g)
    f_g = jax.nn.sigmoid(f_g)
    g_g = jnp.tanh(g_g)
    o_g = jax.nn.sigmoid(o_g)
    c_new = f_g * c_prev + i_g * g_g
    h_new = o_g * jnp.tanh(c_new)
    # mlp1(relu(lstm_out))
    node_feat = jnp.maximum(h_new, 0.0) @ Wm1.T + bm1
    # RFMBlock (edge_feat and g_repr have zero width, so omitted from concats)
    src = jnp.take(node_feat, edge_index[0], axis=0)
    dst = jnp.take(node_feat, edge_index[1], axis=0)
    inp_e = jnp.concatenate([src, dst], axis=-1)
    edge_out = jnp.maximum(inp_e @ We.T + be, 0.0) @ We2.T + be2
    # sum of incoming edge messages per destination node
    h_agg = jax.ops.segment_sum(edge_out, edge_index[1], num_segments=node_feat.shape[0])
    inp_n = jnp.concatenate([node_feat, h_agg], axis=-1)
    node_out = jnp.maximum(inp_n @ Wn.T + bn, 0.0) @ Wn2.T + bn2
    # global (u) representation: computed in original forward, then discarded
    e_comb = jnp.sum(edge_out, axis=0, keepdims=True)
    n_comb = jnp.sum(node_out, axis=0, keepdims=True)
    u_out = jnp.maximum(jnp.concatenate([n_comb, e_comb], axis=-1) @ Wu.T + bu, 0.0) @ Wu2.T + bu2
    # readout
    q = jnp.maximum(node_out @ Wro.T + bro, 0.0) @ Wro2.T + bro2
    return q, h_new[None, :, :], c_new[None, :, :], u_out


def reference(obs, h0, c0, edge_index, W1a, b1a, W1b, b1b, W_ih, b_ih, W_hh, b_hh,
              Wm1, bm1, We, be, We2, be2, Wn, bn, Wn2, bn2, Wu, bu, Wu2, bu2,
              Wro, bro, Wro2, bro2):
    q, h_n, c_n, _u = _forward(obs, h0, c0, W1a, b1a, W1b, b1b, W_ih, b_ih, W_hh, b_hh,
                               Wm1, bm1, We, be, We2, be2, Wn, bn, Wn2, bn2,
                               Wu, bu, Wu2, bu2, Wro, bro, Wro2, bro2, edge_index)
    # original torch forward returns (action_logits, lstm_hidden)
    return (q, h_n, c_n)

if __name__ == "__main__":
    import jax
    _d = setup_inputs()
    print(jax.jit(kernel)(*tuple(_d.values())))

</pallas_src>

<mosaic_0001>
#map = affine_map<(d0, d1) -> (0, 0)>
#map1 = affine_map<(d0, d1) -> (0)>
module attributes {stable_mosaic.version = 14 : i64} {
  func.func @_sc_body(%arg0: i32, %arg1: i32, %arg2: memref<20000x144xf32, #tpu.memory_space<hbm>>, %arg3: memref<20000x144xf32, #tpu.memory_space<hbm>>, %arg4: memref<1280000xi32, #tpu.memory_space<hbm>>, %arg5: memref<320000xi32, #tpu.memory_space<hbm>>, %arg6: memref<10240x144xf32, #tpu.memory_space<hbm>>, %arg7: memref<20480x144xf32, #tpu.memory_space<hbm>>, %arg8: memref<160xi32, #tpu.memory_space<vmem>>, %arg9: memref<160xi32, #tpu.memory_space<vmem>>, %arg10: memref<80xi32, #tpu.memory_space<vmem>>, %arg11: memref<80xi32, #tpu.memory_space<vmem>>, %arg12: memref<80x144xf32, #tpu.memory_space<vmem>>, %arg13: memref<80x144xf32, #tpu.memory_space<vmem>>, %arg14: memref<10240x144xf32, #tpu.memory_space<vmem_shared>>, %arg15: memref<!tpu.dma_semaphore, #tpu.memory_space<semaphore_mem>>, %arg16: memref<!tpu.dma_semaphore, #tpu.memory_space<semaphore_mem>>, %arg17: memref<!tpu.dma_semaphore, #tpu.memory_space<semaphore_mem>>, %arg18: memref<!tpu.dma_semaphore, #tpu.memory_space<semaphore_mem>>, %arg19: memref<!tpu.dma_semaphore, #tpu.memory_space<semaphore_mem>>) attributes {dimension_semantics = [#tpu.dimension_semantics<core_parallel>, #tpu.dimension_semantics<subcore_parallel>], iteration_bounds = array<i64: 2, 16>, scalar_prefetch = 0 : i64, scratch_operands = 12 : i64, tpu.core_type = #tpu.core_type<sc_vector_subcore>, window_params = [{transform_indices = #map}, {transform_indices = #map}, {transform_indices = #map1}, {transform_indices = #map1}, {transform_indices = #map}, {transform_indices = #map}]} {
    %mul3A = arith.constant 640 : i32
    %mul3A_0 = arith.muli %arg1, %mul3A : i32
    "tpu.region"() ({
      %run_scoped3A = tpu.sem_alloc : memref<!tpu.dma_semaphore, #tpu.memory_space<semaphore_mem>>
      %dma_start3A_44 = arith.constant 0 : i32
      %dma_start3A_45 = tpu.memref_slice %arg14[%mul3A_0, %dma_start3A_44] : memref<10240x144xf32, #tpu.memory_space<vmem_shared>> -> memref<640x144xf32, #tpu.memory_space<vmem_shared>>
      %dma_start3A_46 = arith.constant 0 : i32
      %dma_start3A_47 = tpu.memref_slice %arg6[%mul3A_0, %dma_start3A_46] : memref<10240x144xf32, #tpu.memory_space<hbm>> -> memref<640x144xf32, #tpu.memory_space<hbm>>
      tpu.enqueue_dma source(%dma_start3A_47 : memref<640x144xf32, #tpu.memory_space<hbm>>) target(%dma_start3A_45 : memref<640x144xf32, #tpu.memory_space<vmem_shared>>) target_semaphore(%run_scoped3A : memref<!tpu.dma_semaphore, #tpu.memory_space<semaphore_mem>>)
      %dma_wait3A_48 = arith.constant 0 : i32
      %dma_wait3A_49 = tpu.memref_slice %arg14[%mul3A_0, %dma_wait3A_48] : memref<10240x144xf32, #tpu.memory_space<vmem_shared>> -> memref<640x144xf32, #tpu.memory_space<vmem_shared>>
      %dma_wait3A_50 = arith.constant 0 : i32
      %dma_wait3A_51 = tpu.memref_slice %arg6[%mul3A_0, %dma_wait3A_50] : memref<10240x144xf32, #tpu.memory_space<hbm>> -> memref<640x144xf32, #tpu.memory_space<hbm>>
      tpu.wait_dma2 semaphore(%run_scoped3A : memref<!tpu.dma_semaphore, #tpu.memory_space<semaphore_mem>>) src(%dma_wait3A_51 : memref<640x144xf32, #tpu.memory_space<hbm>>) dst(%dma_wait3A_49 : memref<640x144xf32, #tpu.memory_space<vmem_shared>>)
      tpu.yield
    }) : () -> ()
    %barrier3A = arith.constant 0 : index
    tpu.barrier barrier_id(%barrier3A)
    %mul3A_1 = arith.constant 4000 : i32
    %mul3A_2 = arith.muli %arg0, %mul3A_1 : i32
    %mul3A_3 = arith.constant 250 : i32
    %mul3A_4 = arith.muli %arg1, %mul3A_3 : i32
    %add3A = arith.addi %mul3A_2, %mul3A_4 : i32
    %mul3A_5 = arith.constant 20000 : i32
    %mul3A_6 = arith.muli %arg1, %mul3A_5 : i32
    %add3A_7 = arith.constant 0 : i32
    %add3A_8 = arith.addi %add3A, %add3A_7 : i32
    %mul3A_9 = arith.constant 2 : i32
    %mul3A_10 = arith.muli %add3A_8, %mul3A_9 : i32
    %mul3A_11 = arith.constant 80 : i32
    %mul3A_12 = arith.muli %mul3A_10, %mul3A_11 : i32
    %dma_start3A = tpu.memref_slice %arg4[%mul3A_12] : memref<1280000xi32, #tpu.memory_space<hbm>> -> memref<160xi32, #tpu.memory_space<hbm>>
    %dma_start3A_13 = tpu.memref_slice %arg4[%mul3A_12] : memref<1280000xi32, #tpu.memory_space<hbm>> -> memref<160xi32, #tpu.memory_space<hbm>>
    tpu.enqueue_dma source(%dma_start3A_13 : memref<160xi32, #tpu.memory_space<hbm>>) target(%arg8 : memref<160xi32, #tpu.memory_space<vmem>>) target_semaphore(%arg19 : memref<!tpu.dma_semaphore, #tpu.memory_space<semaphore_mem>>)
    %add3A_14 = arith.constant 0 : i32
    %add3A_15 = arith.addi %mul3A_6, %add3A_14 : i32
    %dma_start3A_16 = tpu.memref_slice %arg5[%add3A_15] : memref<320000xi32, #tpu.memory_space<hbm>> -> memref<80xi32, #tpu.memory_space<hbm>>
    %dma_start3A_17 = tpu.memref_slice %arg5[%add3A_15] : memref<320000xi32, #tpu.memory_space<hbm>> -> memref<80xi32, #tpu.memory_space<hbm>>
    tpu.enqueue_dma source(%dma_start3A_17 : memref<80xi32, #tpu.memory_space<hbm>>) target(%arg10 : memref<80xi32, #tpu.memory_space<vmem>>) target_semaphore(%arg19 : memref<!tpu.dma_semaphore, #tpu.memory_space<semaphore_mem>>)
    %dma_wait3A = arith.constant 0 : i32
    %dma_wait3A_18 = tpu.memref_slice %arg4[%dma_wait3A] : memref<1280000xi32, #tpu.memory_space<hbm>> -> memref<160xi32, #tpu.memory_space<hbm>>
    %dma_wait3A_19 = arith.constant 0 : i32
    %dma_wait3A_20 = tpu.memref_slice %arg4[%dma_wait3A_19] : memref<1280000xi32, #tpu.memory_space<hbm>> -> memref<160xi32, #tpu.memory_space<hbm>>
    tpu.wait_dma2 semaphore(%arg19 : memref<!tpu.dma_semaphore, #tpu.memory_space<semaphore_mem>>) src(%dma_wait3A_20 : memref<160xi32, #tpu.memory_space<hbm>>) dst(%arg8 : memref<160xi32, #tpu.memory_space<vmem>>)
    %dma_wait3A_21 = arith.constant 0 : i32
    %dma_wait3A_22 = tpu.memref_slice %arg5[%dma_wait3A_21] : memref<320000xi32, #tpu.memory_space<hbm>> -> memref<80xi32, #tpu.memory_space<hbm>>
    %dma_wait3A_23 = arith.constant 0 : i32
    %dma_wait3A_24 = tpu.memref_slice %arg5[%dma_wait3A_23] : memref<320000xi32, #tpu.memory_space<hbm>> -> memref<80xi32, #tpu.memory_space<hbm>>
    tpu.wait_dma2 semaphore(%arg19 : memref<!tpu.dma_semaphore, #tpu.memory_space<semaphore_mem>>) src(%dma_wait3A_24 : memref<80xi32, #tpu.memory_space<hbm>>) dst(%arg10 : memref<80xi32, #tpu.memory_space<vmem>>)
    %dma_start3A_25 = arith.constant 0 : i32
    %dma_start3A_26 = tpu.memref_slice %arg8[%dma_start3A_25] : memref<160xi32, #tpu.memory_space<vmem>> -> memref<80xi32, #tpu.memory_space<vmem>>
    %dma_start3A_27 = arith.constant 0 : i32
    %dma_start3A_28 = arith.constant 0 : i32
    %dma_start3A_29 = tpu.memref_slice %arg2[%dma_start3A_27, %dma_start3A_28] : memref<20000x144xf32, #tpu.memory_space<hbm>> -> memref<20000x144xf32, #tpu.memory_space<hbm>>
    tpu.enqueue_indirect_dma source(%dma_start3A_29 : memref<20000x144xf32, #tpu.memory_space<hbm>>) target(%arg12 : memref<80x144xf32, #tpu.memory_space<vmem>>) offsets(%dma_start3A_26 : memref<80xi32, #tpu.memory_space<vmem>>) semaphore(%arg15 : memref<!tpu.dma_semaphore, #tpu.memory_space<semaphore_mem>>)
    %scan3A = arith.constant 0 : i32
    %scan3A_30 = arith.constant 125 : i32
    %scan3A_31 = arith.addi %scan3A, %scan3A_30 : i32
    %scan3A_32 = arith.constant 1 : i32
    scf.for %scan3A_44 = %scan3A to %scan3A_31 step %scan3A_32  : i32 {
      %mul3A_45 = arith.constant 1 : i32
      %mul3A_46 = arith.muli %scan3A_44, %mul3A_45 : i32
      %add3A_47 = arith.constant 0 : i32
      %add3A_48 = arith.addi %add3A_47, %mul3A_46 : i32
      %mul3A_49 = arith.constant 2 : i32
      %mul3A_50 = arith.muli %mul3A_49, %add3A_48 : i32
      %add3A_51 = arith.constant 0 : i32
      %add3A_52 = arith.addi %mul3A_50, %add3A_51 : i32
      %dma_wait3A_53 = arith.constant 0 : i32
      %dma_wait3A_54 = arith.constant 0 : i32
      %dma_wait3A_55 = tpu.memref_slice %arg2[%dma_wait3A_53, %dma_wait3A_54] : memref<20000x144xf32, #tpu.memory_space<hbm>> -> memref<80x144xf32, #tpu.memory_space<hbm>>
      %dma_wait3A_56 = arith.constant 0 : i32
      %dma_wait3A_57 = arith.constant 0 : i32
      %dma_wait3A_58 = tpu.memref_slice %arg2[%dma_wait3A_56, %dma_wait3A_57] : memref<20000x144xf32, #tpu.memory_space<hbm>> -> memref<80x144xf32, #tpu.memory_space<hbm>>
      tpu.wait_dma2 semaphore(%arg15 : memref<!tpu.dma_semaphore, #tpu.memory_space<semaphore_mem>>) src(%dma_wait3A_58 : memref<80x144xf32, #tpu.memory_space<hbm>>) dst(%arg12 : memref<80x144xf32, #tpu.memory_space<vmem>>)
      %dma_start3A_59 = arith.constant 80 : i32
      %dma_start3A_60 = tpu.memref_slice %arg8[%dma_start3A_59] : memref<160xi32, #tpu.memory_space<vmem>> -> memref<80xi32, #tpu.memory_space<vmem>>
      %dma_start3A_61 = arith.constant 0 : i32
      %dma_start3A_62 = arith.constant 0 : i32
      %dma_start3A_63 = tpu.memref_slice %arg3[%dma_start3A_61, %dma_start3A_62] : memref<20000x144xf32, #tpu.memory_space<hbm>> -> memref<20000x144xf32, #tpu.memory_space<hbm>>
      tpu.enqueue_indirect_dma source(%dma_start3A_63 : memref<20000x144xf32, #tpu.memory_space<hbm>>) target(%arg12 : memref<80x144xf32, #tpu.memory_space<vmem>>) offsets(%dma_start3A_60 : memref<80xi32, #tpu.memory_space<vmem>>) semaphore(%arg15 : memref<!tpu.dma_semaphore, #tpu.memory_space<semaphore_mem>>) {add = true}
      %gt3A = arith.constant 0 : i32
      %gt3A_64 = arith.cmpi sgt, %add3A_48, %gt3A : i32
      %convert_element_type3A = arith.extui %gt3A_64 : i1 to i32
      %cond3A = arith.constant 0 : i32
      %cond3A_65 = arith.cmpi ne, %convert_element_type3A, %cond3A : i32
      scf.if %cond3A_65 {
        %dma_wait3A_146 = arith.constant 0 : i32
        %dma_wait3A_147 = arith.constant 0 : i32
        %dma_wait3A_148 = tpu.memref_slice %arg14[%dma_wait3A_146, %dma_wait3A_147] : memref<10240x144xf32, #tpu.memory_space<vmem_shared>> -> memref<80x144xf32, #tpu.memory_space<vmem_shared>>
        %dma_wait3A_149 = arith.constant 0 : i32
        %dma_wait3A_150 = arith.constant 0 : i32
        %dma_wait3A_151 = tpu.memref_slice %arg14[%dma_wait3A_149, %dma_wait3A_150] : memref<10240x144xf32, #tpu.memory_space<vmem_shared>> -> memref<80x144xf32, #tpu.memory_space<vmem_shared>>
        tpu.wait_dma2 semaphore(%arg18 : memref<!tpu.dma_semaphore, #tpu.memory_space<semaphore_mem>>) src(%arg13 : memref<80x144xf32, #tpu.memory_space<vmem>>) dst(%dma_wait3A_151 : memref<80x144xf32, #tpu.memory_space<vmem_shared>>)
      } else {
      }
      %add3A_66 = arith.constant 1 : i32
      %add3A_67 = arith.addi %add3A_52, %add3A_66 : i32
      %add3A_68 = arith.addi %add3A, %add3A_67 : i32
      %mul3A_69 = arith.constant 2 : i32
      %mul3A_70 = arith.muli %add3A_68, %mul3A_69 : i32
      %mul3A_71 = arith.constant 80 : i32
      %mul3A_72 = arith.muli %mul3A_70, %mul3A_71 : i32
      %dma_start3A_73 = tpu.memref_slice %arg4[%mul3A_72] : memref<1280000xi32, #tpu.memory_space<hbm>> -> memref<160xi32, #tpu.memory_space<hbm>>
      %dma_start3A_74 = tpu.memref_slice %arg4[%mul3A_72] : memref<1280000xi32, #tpu.memory_space<hbm>> -> memref<160xi32, #tpu.memory_space<hbm>>
      tpu.enqueue_dma source(%dma_start3A_74 : memref<160xi32, #tpu.memory_space<hbm>>) target(%arg9 : memref<160xi32, #tpu.memory_space<vmem>>) target_semaphore(%arg19 : memref<!tpu.dma_semaphore, #tpu.memory_space<semaphore_mem>>)
      %mul3A_75 = arith.constant 80 : i32
      %mul3A_76 = arith.muli %add3A_67, %mul3A_75 : i32
      %add3A_77 = arith.addi %mul3A_6, %mul3A_76 : i32
      %dma_start3A_78 = tpu.memref_slice %arg5[%add3A_77] : memref<320000xi32, #tpu.memory_space<hbm>> -> memref<80xi32, #tpu.memory_space<hbm>>
      %dma_start3A_79 = tpu.memref_slice %arg5[%add3A_77] : memref<320000xi32, #tpu.memory_space<hbm>> -> memref<80xi32, #tpu.memory_space<hbm>>
      tpu.enqueue_dma source(%dma_start3A_79 : memref<80xi32, #tpu.memory_space<hbm>>) target(%arg11 : memref<80xi32, #tpu.memory_space<vmem>>) target_semaphore(%arg19 : memref<!tpu.dma_semaphore, #tpu.memory_space<semaphore_mem>>)
      %dma_wait3A_80 = arith.constant 0 : i32
      %dma_wait3A_81 = tpu.memref_slice %arg4[%dma_wait3A_80] : memref<1280000xi32, #tpu.memory_space<hbm>> -> memref<160xi32, #tpu.memory_space<hbm>>
      %dma_wait3A_82 = arith.constant 0 : i32
      %dma_wait3A_83 = tpu.memref_slice %arg4[%dma_wait3A_82] : memref<1280000xi32, #tpu.memory_space<hbm>> -> memref<160xi32, #tpu.memory_space<hbm>>
      tpu.wait_dma2 semaphore(%arg19 : memref<!tpu.dma_semaphore, #tpu.memory_space<semaphore_mem>>) src(%dma_wait3A_83 : memref<160xi32, #tpu.memory_space<hbm>>) dst(%arg9 : memref<160xi32, #tpu.memory_space<vmem>>)
      %dma_wait3A_84 = arith.constant 0 : i32
      %dma_wait3A_85 = tpu.memref_slice %arg5[%dma_wait3A_84] : memref<320000xi32, #tpu.memory_space<hbm>> -> memref<80xi32, #tpu.memory_space<hbm>>
      %dma_wait3A_86 = arith.constant 0 : i32
      %dma_wait3A_87 = tpu.memref_slice %arg5[%dma_wait3A_86] : memref<320000xi32, #tpu.memory_space<hbm>> -> memref<80xi32, #tpu.memory_space<hbm>>
      tpu.wait_dma2 semaphore(%arg19 : memref<!tpu.dma_semaphore, #tpu.memory_space<semaphore_mem>>) src(%dma_wait3A_87 : memref<80xi32, #tpu.memory_space<hbm>>) dst(%arg11 : memref<80xi32, #tpu.memory_space<vmem>>)
      %dma_start3A_88 = arith.constant 0 : i32
      %dma_start3A_89 = tpu.memref_slice %arg9[%dma_start3A_88] : memref<160xi32, #tpu.memory_space<vmem>> -> memref<80xi32, #tpu.memory_space<vmem>>
      %dma_start3A_90 = arith.constant 0 : i32
      %dma_start3A_91 = arith.constant 0 : i32
      %dma_start3A_92 = tpu.memref_slice %arg2[%dma_start3A_90, %dma_start3A_91] : memref<20000x144xf32, #tpu.memory_space<hbm>> -> memref<20000x144xf32, #tpu.memory_space<hbm>>
      tpu.enqueue_indirect_dma source(%dma_start3A_92 : memref<20000x144xf32, #tpu.memory_space<hbm>>) target(%arg13 : memref<80x144xf32, #tpu.memory_space<vmem>>) offsets(%dma_start3A_89 : memref<80xi32, #tpu.memory_space<vmem>>) semaphore(%arg16 : memref<!tpu.dma_semaphore, #tpu.memory_space<semaphore_mem>>)
      %dma_wait3A_93 = arith.constant 0 : i32
      %dma_wait3A_94 = arith.constant 0 : i32
      %dma_wait3A_95 = tpu.memref_slice %arg2[%dma_wait3A_93, %dma_wait3A_94] : memref<20000x144xf32, #tpu.memory_space<hbm>> -> memref<80x144xf32, #tpu.memory_space<hbm>>
      %dma_wait3A_96 = arith.constant 0 : i32
      %dma_wait3A_97 = arith.constant 0 : i32
      %dma_wait3A_98 = tpu.memref_slice %arg2[%dma_wait3A_96, %dma_wait3A_97] : memref<20000x144xf32, #tpu.memory_space<hbm>> -> memref<80x144xf32, #tpu.memory_space<hbm>>
      tpu.wait_dma2 semaphore(%arg15 : memref<!tpu.dma_semaphore, #tpu.memory_space<semaphore_mem>>) src(%dma_wait3A_98 : memref<80x144xf32, #tpu.memory_space<hbm>>) dst(%arg12 : memref<80x144xf32, #tpu.memory_space<vmem>>)
      %scan3A_99 = arith.constant 0 : i32
      %scan3A_100 = arith.constant 80 : i32
      %scan3A_101 = arith.addi %scan3A_99, %scan3A_100 : i32
      %scan3A_102 = arith.constant 2 : i32
      scf.for %scan3A_146 = %scan3A_99 to %scan3A_101 step %scan3A_102  : i32 {
        %mul3A_147 = arith.constant 1 : i32
        %mul3A_148 = arith.muli %scan3A_146, %mul3A_147 : i32
        %add3A_149 = arith.constant 0 : i32
        %add3A_150 = arith.addi %add3A_149, %mul3A_148 : i32
        %get3A = arith.index_cast %add3A_150 : i32 to index
        %get3A_151 = arith.constant 0 : index
        %get3A_152 = tpu.vector_load %arg12[%get3A, %get3A_151] {strides = array<i32>} : memref<80x144xf32, #tpu.memory_space<vmem>>, vector<1x16xf32>,
        %get3A_153 = vector.shape_cast %get3A_152 : vector<1x16xf32> to vector<16xf32>
        %max3A = arith.constant 0.000000e+00 : f32
        %max3A_154 = vector.broadcast %max3A : f32 to vector<16xf32>
        %max3A_155 = arith.maximumf %get3A_153, %max3A_154 : vector<16xf32>
        %swap3A = arith.index_cast %add3A_150 : i32 to index
        %swap3A_156 = arith.constant 0 : index
        %swap3A_157 = tpu.vector_load %arg12[%swap3A, %swap3A_156] {strides = array<i32>} : memref<80x144xf32, #tpu.memory_space<vmem>>, vector<1x16xf32>,
        %swap3A_158 = vector.shape_cast %swap3A_157 : vector<1x16xf32> to vector<16xf32>
        %swap3A_159 = vector.shape_cast %max3A_155 : vector<16xf32> to vector<1x16xf32>
        tpu.vector_store %arg12[%swap3A, %swap3A_156], %swap3A_159 {strides = array<i32>} : memref<80x144xf32, #tpu.memory_space<vmem>>, vector<1x16xf32>,
        %get3A_160 = arith.index_cast %add3A_150 : i32 to index
        %get3A_161 = arith.constant 16 : index
        %get3A_162 = tpu.vector_load %arg12[%get3A_160, %get3A_161] {strides = array<i32>} : memref<80x144xf32, #tpu.memory_space<vmem>>, vector<1x16xf32>,
        %get3A_163 = vector.shape_cast %get3A_162 : vector<1x16xf32> to vector<16xf32>
        %max3A_164 = arith.constant 0.000000e+00 : f32
        %max3A_165 = vector.broadcast %max3A_164 : f32 to vector<16xf32>
        %max3A_166 = arith.maximumf %get3A_163, %max3A_165 : vector<16xf32>
        %swap3A_167 = arith.index_cast %add3A_150 : i32 to index
        %swap3A_168 = arith.constant 16 : index
        %swap3A_169 = tpu.vector_load %arg12[%swap3A_167, %swap3A_168] {strides = array<i32>} : memref<80x144xf32, #tpu.memory_space<vmem>>, vector<1x16xf32>,
        %swap3A_170 = vector.shape_cast %swap3A_169 : vector<1x16xf32> to vector<16xf32>
        %swap3A_171 = vector.shape_cast %max3A_166 : vector<16xf32> to vector<1x16xf32>
        tpu.vector_store %arg12[%swap3A_167, %swap3A_168], %swap3A_171 {strides = array<i32>} : memref<80x144xf32, #tpu.memory_space<vmem>>, vector<1x16xf32>,
        %get3A_172 = arith.index_cast %add3A_150 : i32 to index
        %get3A_173 = arith.constant 32 : index
        %get3A_174 = tpu.vector_load %arg12[%get3A_172, %get3A_173] {strides = array<i32>} : memref<80x144xf32, #tpu.memory_space<vmem>>, vector<1x16xf32>,
        %get3A_175 = vector.shape_cast %get3A_174 : vector<1x16xf32> to vector<16xf32>
        %max3A_176 = arith.constant 0.000000e+00 : f32
        %max3A_177 = vector.broadcast %max3A_176 : f32 to vector<16xf32>
        %max3A_178 = arith.maximumf %get3A_175, %max3A_177 : vector<16xf32>
        %swap3A_179 = arith.index_cast %add3A_150 : i32 to index
        %swap3A_180 = arith.constant 32 : index
        %swap3A_181 = tpu.vector_load %arg12[%swap3A_179, %swap3A_180] {strides = array<i32>} : memref<80x144xf32, #tpu.memory_space<vmem>>, vector<1x16xf32>,
        %swap3A_182 = vector.shape_cast %swap3A_181 : vector<1x16xf32> to vector<16xf32>
        %swap3A_183 = vector.shape_cast %max3A_178 : vector<16xf32> to vector<1x16xf32>
        tpu.vector_store %arg12[%swap3A_179, %swap3A_180], %swap3A_183 {strides = array<i32>} : memref<80x144xf32, #tpu.memory_space<vmem>>, vector<1x16xf32>,
        %get3A_184 = arith.index_cast %add3A_150 : i32 to index
        %get3A_185 = arith.constant 48 : index
        %get3A_186 = tpu.vector_load %arg12[%get3A_184, %get3A_185] {strides = array<i32>} : memref<80x144xf32, #tpu.memory_space<vmem>>, vector<1x16xf32>,
        %get3A_187 = vector.shape_cast %get3A_186 : vector<1x16xf32> to vector<16xf32>
        %max3A_188 = arith.constant 0.000000e+00 : f32
        %max3A_189 = vector.broadcast %max3A_188 : f32 to vector<16xf32>
        %max3A_190 = arith.maximumf %get3A_187, %max3A_189 : vector<16xf32>
        %swap3A_191 = arith.index_cast %add3A_150 : i32 to index
        %swap3A_192 = arith.constant 48 : index
        %swap3A_193 = tpu.vector_load %arg12[%swap3A_191, %swap3A_192] {strides = array<i32>} : memref<80x144xf32, #tpu.memory_space<vmem>>, vector<1x16xf32>,
        %swap3A_194 = vector.shape_cast %swap3A_193 : vector<1x16xf32> to vector<16xf32>
        %swap3A_195 = vector.shape_cast %max3A_190 : vector<16xf32> to vector<1x16xf32>
        tpu.vector_store %arg12[%swap3A_191, %swap3A_192], %swap3A_195 {strides = array<i32>} : memref<80x144xf32, #tpu.memory_space<vmem>>, vector<1x16xf32>,
        %get3A_196 = arith.index_cast %add3A_150 : i32 to index
        %get3A_197 = arith.constant 64 : index
        %get3A_198 = tpu.vector_load %arg12[%get3A_196, %get3A_197] {strides = array<i32>} : memref<80x144xf32, #tpu.memory_space<vmem>>, vector<1x16xf32>,
        %get3A_199 = vector.shape_cast %get3A_198 : vector<1x16xf32> to vector<16xf32>
        %max3A_200 = arith.constant 0.000000e+00 : f32
        %max3A_201 = vector.broadcast %max3A_200 : f32 to vector<16xf32>
        %max3A_202 = arith.maximumf %get3A_199, %max3A_201 : vector<16xf32>
        %swap3A_203 = arith.index_cast %add3A_150 : i32 to index
        %swap3A_204 = arith.constant 64 : index
        %swap3A_205 = tpu.vector_load %arg12[%swap3A_203, %swap3A_204] {strides = array<i32>} : memref<80x144xf32, #tpu.memory_space<vmem>>, vector<1x16xf32>,
        %swap3A_206 = vector.shape_cast %swap3A_205 : vector<1x16xf32> to vector<16xf32>
        %swap3A_207 = vector.shape_cast %max3A_202 : vector<16xf32> to vector<1x16xf32>
        tpu.vector_store %arg12[%swap3A_203, %swap3A_204], %swap3A_207 {strides = array<i32>} : memref<80x144xf32, #tpu.memory_space<vmem>>, vector<1x16xf32>,
        %get3A_208 = arith.index_cast %add3A_150 : i32 to index
        %get3A_209 = arith.constant 80 : index
        %get3A_210 = tpu.vector_load %arg12[%get3A_208, %get3A_209] {strides = array<i32>} : memref<80x144xf32, #tpu.memory_space<vmem>>, vector<1x16xf32>,
        %get3A_211 = vector.shape_cast %get3A_210 : vector<1x16xf32> to vector<16xf32>
        %max3A_212 = arith.constant 0.000000e+00 : f32
        %max3A_213 = vector.broadcast %max3A_212 : f32 to vector<16xf32>
        %max3A_214 = arith.maximumf %get3A_211, %max3A_213 : vector<16xf32>
        %swap3A_215 = arith.index_cast %add3A_150 : i32 to index
        %swap3A_216 = arith.constant 80 : index
        %swap3A_217 = tpu.vector_load %arg12[%swap3A_215, %swap3A_216] {strides = array<i32>} : memref<80x144xf32, #tpu.memory_space<vmem>>, vector<1x16xf32>,
        %swap3A_218 = vector.shape_cast %swap3A_217 : vector<1x16xf32> to vector<16xf32>
        %swap3A_219 = vector.shape_cast %max3A_214 : vector<16xf32> to vector<1x16xf32>
        tpu.vector_store %arg12[%swap3A_215, %swap3A_216], %swap3A_219 {strides = array<i32>} : memref<80x144xf32, #tpu.memory_space<vmem>>, vector<1x16xf32>,
        %get3A_220 = arith.index_cast %add3A_150 : i32 to index
        %get3A_221 = arith.constant 96 : index
        %get3A_222 = tpu.vector_load %arg12[%get3A_220, %get3A_221] {strides = array<i32>} : memref<80x144xf32, #tpu.memory_space<vmem>>, vector<1x16xf32>,
        %get3A_223 = vector.shape_cast %get3A_222 : vector<1x16xf32> to vector<16xf32>
        %max3A_224 = arith.constant 0.000000e+00 : f32
        %max3A_225 = vector.broadcast %max3A_224 : f32 to vector<16xf32>
        %max3A_226 = arith.maximumf %get3A_223, %max3A_225 : vector<16xf32>
        %swap3A_227 = arith.index_cast %add3A_150 : i32 to index
        %swap3A_228 = arith.constant 96 : index
        %swap3A_229 = tpu.vector_load %arg12[%swap3A_227, %swap3A_228] {strides = array<i32>} : memref<80x144xf32, #tpu.memory_space<vmem>>, vector<1x16xf32>,
        %swap3A_230 = vector.shape_cast %swap3A_229 : vector<1x16xf32> to vector<16xf32>
        %swap3A_231 = vector.shape_cast %max3A_226 : vector<16xf32> to vector<1x16xf32>
        tpu.vector_store %arg12[%swap3A_227, %swap3A_228], %swap3A_231 {strides = array<i32>} : memref<80x144xf32, #tpu.memory_space<vmem>>, vector<1x16xf32>,
        %get3A_232 = arith.index_cast %add3A_150 : i32 to index
        %get3A_233 = arith.constant 112 : index
        %get3A_234 = tpu.vector_load %arg12[%get3A_232, %get3A_233] {strides = array<i32>} : memref<80x144xf32, #tpu.memory_space<vmem>>, vector<1x16xf32>,
        %get3A_235 = vector.shape_cast %get3A_234 : vector<1x16xf32> to vector<16xf32>
        %max3A_236 = arith.constant 0.000000e+00 : f32
        %max3A_237 = vector.broadcast %max3A_236 : f32 to vector<16xf32>
        %max3A_238 = arith.maximumf %get3A_235, %max3A_237 : vector<16xf32>
        %swap3A_239 = arith.index_cast %add3A_150 : i32 to index
        %swap3A_240 = arith.constant 112 : index
        %swap3A_241 = tpu.vector_load %arg12[%swap3A_239, %swap3A_240] {strides = array<i32>} : memref<80x144xf32, #tpu.memory_space<vmem>>, vector<1x16xf32>,
        %swap3A_242 = vector.shape_cast %swap3A_241 : vector<1x16xf32> to vector<16xf32>
        %swap3A_243 = vector.shape_cast %max3A_238 : vector<16xf32> to vector<1x16xf32>
        tpu.vector_store %arg12[%swap3A_239, %swap3A_240], %swap3A_243 {strides = array<i32>} : memref<80x144xf32, #tpu.memory_space<vmem>>, vector<1x16xf32>,
        %scan3A_244 = arith.constant 1 : i32
        %scan3A_245 = arith.addi %scan3A_146, %scan3A_244 : i32
        %mul3A_246 = arith.constant 1 : i32
        %mul3A_247 = arith.muli %scan3A_245, %mul3A_246 : i32
        %add3A_248 = arith.constant 0 : i32
        %add3A_249 = arith.addi %add3A_248, %mul3A_247 : i32
        %get3A_250 = arith.index_cast %add3A_249 : i32 to index
        %get3A_251 = arith.constant 0 : index
        %get3A_252 = tpu.vector_load %arg12[%get3A_250, %get3A_251] {strides = array<i32>} : memref<80x144xf32, #tpu.memory_space<vmem>>, vector<1x16xf32>,
        %get3A_253 = vector.shape_cast %get3A_252 : vector<1x16xf32> to vector<16xf32>
        %max3A_254 = arith.constant 0.000000e+00 : f32
        %max3A_255 = vector.broadcast %max3A_254 : f32 to vector<16xf32>
        %max3A_256 = arith.maximumf %get3A_253, %max3A_255 : vector<16xf32>
        %swap3A_257 = arith.index_cast %add3A_249 : i32 to index
        %swap3A_258 = arith.constant 0 : index
        %swap3A_259 = tpu.vector_load %arg12[%swap3A_257, %swap3A_258] {strides = array<i32>} : memref<80x144xf32, #tpu.memory_space<vmem>>, vector<1x16xf32>,
        %swap3A_260 = vector.shape_cast %swap3A_259 : vector<1x16xf32> to vector<16xf32>
        %swap3A_261 = vector.shape_cast %max3A_256 : vector<16xf32> to vector<1x16xf32>
        tpu.vector_store %arg12[%swap3A_257, %swap3A_258], %swap3A_261 {strides = array<i32>} : memref<80x144xf32, #tpu.memory_space<vmem>>, vector<1x16xf32>,
        %get3A_262 = arith.index_cast %add3A_249 : i32 to index
        %get3A_263 = arith.constant 16 : index
        %get3A_264 = tpu.vector_load %arg12[%get3A_262, %get3A_263] {strides = array<i32>} : memref<80x144xf32, #tpu.memory_space<vmem>>, vector<1x16xf32>,
        %get3A_265 = vector.shape_cast %get3A_264 : vector<1x16xf32> to vector<16xf32>
        %max3A_266 = arith.constant 0.000000e+00 : f32
        %max3A_267 = vector.broadcast %max3A_266 : f32 to vector<16xf32>
        %max3A_268 = arith.maximumf %get3A_265, %max3A_267 : vector<16xf32>
        %swap3A_269 = arith.index_cast %add3A_249 : i32 to index
        %swap3A_270 = arith.constant 16 : index
        %swap3A_271 = tpu.vector_load %arg12[%swap3A_269, %swap3A_270] {strides = array<i32>} : memref<80x144xf32, #tpu.memory_space<vmem>>, vector<1x16xf32>,
        %swap3A_272 = vector.shape_cast %swap3A_271 : vector<1x16xf32> to vector<16xf32>
        %swap3A_273 = vector.shape_cast %max3A_268 : vector<16xf32> to vector<1x16xf32>
        tpu.vector_store %arg12[%swap3A_269, %swap3A_270], %swap3A_273 {strides = array<i32>} : memref<80x144xf32, #tpu.memory_space<vmem>>, vector<1x16xf32>,
        %get3A_274 = arith.index_cast %add3A_249 : i32 to index
        %get3A_275 = arith.constant 32 : index
        %get3A_276 = tpu.vector_load %arg12[%get3A_274, %get3A_275] {strides = array<i32>} : memref<80x144xf32, #tpu.memory_space<vmem>>, vector<1x16xf32>,
        %get3A_277 = vector.shape_cast %get3A_276 : vector<1x16xf32> to vector<16xf32>
        %max3A_278 = arith.constant 0.000000e+00 : f32
        %max3A_279 = vector.broadcast %max3A_278 : f32 to vector<16xf32>
        %max3A_280 = arith.maximumf %get3A_277, %max3A_279 : vector<16xf32>
        %swap3A_281 = arith.index_cast %add3A_249 : i32 to index
        %swap3A_282 = arith.constant 32 : index
        %swap3A_283 = tpu.vector_load %arg12[%swap3A_281, %swap3A_282] {strides = array<i32>} : memref<80x144xf32, #tpu.memory_space<vmem>>, vector<1x16xf32>,
        %swap3A_284 = vector.shape_cast %swap3A_283 : vector<1x16xf32> to vector<16xf32>
        %swap3A_285 = vector.shape_cast %max3A_280 : vector<16xf32> to vector<1x16xf32>
        tpu.vector_store %arg12[%swap3A_281, %swap3A_282], %swap3A_285 {strides = array<i32>} : memref<80x144xf32, #tpu.memory_space<vmem>>, vector<1x16xf32>,
        %get3A_286 = arith.index_cast %add3A_249 : i32 to index
        %get3A_287 = arith.constant 48 : index
        %get3A_288 = tpu.vector_load %arg12[%get3A_286, %get3A_287] {strides = array<i32>} : memref<80x144xf32, #tpu.memory_space<vmem>>, vector<1x16xf32>,
        %get3A_289 = vector.shape_cast %get3A_288 : vector<1x16xf32> to vector<16xf32>
        %max3A_290 = arith.constant 0.000000e+00 : f32
        %max3A_291 = vector.broadcast %max3A_290 : f32 to vector<16xf32>
        %max3A_292 = arith.maximumf %get3A_289, %max3A_291 : vector<16xf32>
        %swap3A_293 = arith.index_cast %add3A_249 : i32 to index
        %swap3A_294 = arith.constant 48 : index
        %swap3A_295 = tpu.vector_load %arg12[%swap3A_293, %swap3A_294] {strides = array<i32>} : memref<80x144xf32, #tpu.memory_space<vmem>>, vector<1x16xf32>,
        %swap3A_296 = vector.shape_cast %swap3A_295 : vector<1x16xf32> to vector<16xf32>
        %swap3A_297 = vector.shape_cast %max3A_292 : vector<16xf32> to vector<1x16xf32>
        tpu.vector_store %arg12[%swap3A_293, %swap3A_294], %swap3A_297 {strides = array<i32>} : memref<80x144xf32, #tpu.memory_space<vmem>>, vector<1x16xf32>,
        %get3A_298 = arith.index_cast %add3A_249 : i32 to index
        %get3A_299 = arith.constant 64 : index
        %get3A_300 = tpu.vector_load %arg12[%get3A_298, %get3A_299] {strides = array<i32>} : memref<80x144xf32, #tpu.memory_space<vmem>>, vector<1x16xf32>,
        %get3A_301 = vector.shape_cast %get3A_300 : vector<1x16xf32> to vector<16xf32>
        %max3A_302 = arith.constant 0.000000e+00 : f32
        %max3A_303 = vector.broadcast %max3A_302 : f32 to vector<16xf32>
        %max3A_304 = arith.maximumf %get3A_301, %max3A_303 : vector<16xf32>
        %swap3A_305 = arith.index_cast %add3A_249 : i32 to index
        %swap3A_306 = arith.constant 64 : index
        %swap3A_307 = tpu.vector_load %arg12[%swap3A_305, %swap3A_306] {strides = array<i32>} : memref<80x144xf32, #tpu.memory_space<vmem>>, vector<1x16xf32>,
        %swap3A_308 = vector.shape_cast %swap3A_307 : vector<1x16xf32> to vector<16xf32>
        %swap3A_309 = vector.shape_cast %max3A_304 : vector<16xf32> to vector<1x16xf32>
        tpu.vector_store %arg12[%swap3A_305, %swap3A_306], %swap3A_309 {strides = array<i32>} : memref<80x144xf32, #tpu.memory_space<vmem>>, vector<1x16xf32>,
        %get3A_310 = arith.index_cast %add3A_249 : i32 to index
        %get3A_311 = arith.constant 80 : index
        %get3A_312 = tpu.vector_load %arg12[%get3A_310, %get3A_311] {strides = array<i32>} : memref<80x144xf32, #tpu.memory_space<vmem>>, vector<1x16xf32>,
        %get3A_313 = vector.shape_cast %get3A_312 : vector<1x16xf32> to vector<16xf32>
        %max3A_314 = arith.constant 0.000000e+00 : f32
        %max3A_315 = vector.broadcast %max3A_314 : f32 to vector<16xf32>
        %max3A_316 = arith.maximumf %get3A_313, %max3A_315 : vector<16xf32>
        %swap3A_317 = arith.index_cast %add3A_249 : i32 to index
        %swap3A_318 = arith.constant 80 : index
        %swap3A_319 = tpu.vector_load %arg12[%swap3A_317, %swap3A_318] {strides = array<i32>} : memref<80x144xf32, #tpu.memory_space<vmem>>, vector<1x16xf32>,
        %swap3A_320 = vector.shape_cast %swap3A_319 : vector<1x16xf32> to vector<16xf32>
        %swap3A_321 = vector.shape_cast %max3A_316 : vector<16xf32> to vector<1x16xf32>
        tpu.vector_store %arg12[%swap3A_317, %swap3A_318], %swap3A_321 {strides = array<i32>} : memref<80x144xf32, #tpu.memory_space<vmem>>, vector<1x16xf32>,
        %get3A_322 = arith.index_cast %add3A_249 : i32 to index
        %get3A_323 = arith.constant 96 : index
        %get3A_324 = tpu.vector_load %arg12[%get3A_322, %get3A_323] {strides = array<i32>} : memref<80x144xf32, #tpu.memory_space<vmem>>, vector<1x16xf32>,
        %get3A_325 = vector.shape_cast %get3A_324 : vector<1x16xf32> to vector<16xf32>
        %max3A_326 = arith.constant 0.000000e+00 : f32
        %max3A_327 = vector.broadcast %max3A_326 : f32 to vector<16xf32>
        %max3A_328 = arith.maximumf %get3A_325, %max3A_327 : vector<16xf32>
        %swap3A_329 = arith.index_cast %add3A_249 : i32 to index
        %swap3A_330 = arith.constant 96 : index
        %swap3A_331 = tpu.vector_load %arg12[%swap3A_329, %swap3A_330] {strides = array<i32>} : memref<80x144xf32, #tpu.memory_space<vmem>>, vector<1x16xf32>,
        %swap3A_332 = vector.shape_cast %swap3A_331 : vector<1x16xf32> to vector<16xf32>
        %swap3A_333 = vector.shape_cast %max3A_328 : vector<16xf32> to vector<1x16xf32>
        tpu.vector_store %arg12[%swap3A_329, %swap3A_330], %swap3A_333 {strides = array<i32>} : memref<80x144xf32, #tpu.memory_space<vmem>>, vector<1x16xf32>,
        %get3A_334 = arith.index_cast %add3A_249 : i32 to index
        %get3A_335 = arith.constant 112 : index
        %get3A_336 = tpu.vector_load %arg12[%get3A_334, %get3A_335] {strides = array<i32>} : memref<80x144xf32, #tpu.memory_space<vmem>>, vector<1x16xf32>,
        %get3A_337 = vector.shape_cast %get3A_336 : vector<1x16xf32> to vector<16xf32>
        %max3A_338 = arith.constant 0.000000e+00 : f32
        %max3A_339 = vector.broadcast %max3A_338 : f32 to vector<16xf32>
        %max3A_340 = arith.maximumf %get3A_337, %max3A_339 : vector<16xf32>
        %swap3A_341 = arith.index_cast %add3A_249 : i32 to index
        %swap3A_342 = arith.constant 112 : index
        %swap3A_343 = tpu.vector_load %arg12[%swap3A_341, %swap3A_342] {strides = array<i32>} : memref<80x144xf32, #tpu.memory_space<vmem>>, vector<1x16xf32>,
        %swap3A_344 = vector.shape_cast %swap3A_343 : vector<1x16xf32> to vector<16xf32>
        %swap3A_345 = vector.shape_cast %max3A_340 : vector<16xf32> to vector<1x16xf32>
        tpu.vector_store %arg12[%swap3A_341, %swap3A_342], %swap3A_345 {strides = array<i32>} : memref<80x144xf32, #tpu.memory_space<vmem>>, vector<1x16xf32>,
      }
      %scan3A_103 = arith.constant 80 : i32
      %dma_start3A_104 = arith.constant 0 : i32
      %dma_start3A_105 = arith.constant 0 : i32
      %dma_start3A_106 = tpu.memref_slice %arg14[%dma_start3A_104, %dma_start3A_105] : memref<10240x144xf32, #tpu.memory_space<vmem_shared>> -> memref<10240x144xf32, #tpu.memory_space<vmem_shared>>
      tpu.enqueue_indirect_dma source(%arg12 : memref<80x144xf32, #tpu.memory_space<vmem>>) target(%dma_start3A_106 : memref<10240x144xf32, #tpu.memory_space<vmem_shared>>) offsets(%arg10 : memref<80xi32, #tpu.memory_space<vmem>>) semaphore(%arg17 : memref<!tpu.dma_semaphore, #tpu.memory_space<semaphore_mem>>) {add = true}
      %mul3A_107 = arith.constant 2 : i32
      %mul3A_108 = arith.muli %mul3A_107, %add3A_48 : i32
      %add3A_109 = arith.constant 1 : i32
      %add3A_110 = arith.addi %mul3A_108, %add3A_109 : i32
      %dma_wait3A_111 = arith.constant 0 : i32
      %dma_wait3A_112 = arith.constant 0 : i32
      %dma_wait3A_113 = tpu.memref_slice %arg2[%dma_wait3A_111, %dma_wait3A_112] : memref<20000x144xf32, #tpu.memory_space<hbm>> -> memref<80x144xf32, #tpu.memory_space<hbm>>
      %dma_wait3A_114 = arith.constant 0 : i32
      %dma_wait3A_115 = arith.constant 0 : i32
      %dma_wait3A_116 = tpu.memref_slice %arg2[%dma_wait3A_114, %dma_wait3A_115] : memref<20000x144xf32, #tpu.memory_space<hbm>> -> memref<80x144xf32, #tpu.memory_space<hbm>>
      tpu.wait_dma2 semaphore(%arg16 : memref<!tpu.dma_semaphore, #tpu.memory_space<semaphore_mem>>) src(%dma_wait3A_116 : memref<80x144xf32, #tpu.memory_space<hbm>>) dst(%arg13 : memref<80x144xf32, #tpu.memory_space<vmem>>)
      %dma_start3A_117 = arith.constant 80 : i32
      %dma_start3A_118 = tpu.memref_slice %arg9[%dma_start3A_117] : memref<160xi32, #tpu.memory_space<vmem>> -> memref<80xi32, #tpu.memory_space<vmem>>
      %dma_start3A_119 = arith.constant 0 : i32
      %dma_start3A_120 = arith.constant 0 : i32
      %dma_start3A_121 = tpu.memref_slice %arg3[%dma_start3A_119, %dma_start3A_120] : memref<20000x144xf32, #tpu.memory_space<hbm>> -> memref<20000x144xf32, #tpu.memory_space<hbm>>
      tpu.enqueue_indirect_dma source(%dma_start3A_121 : memref<20000x144xf32, #tpu.memory_space<hbm>>) target(%arg13 : memref<80x144xf32, #tpu.memory_space<vmem>>) offsets(%dma_start3A_118 : memref<80xi32, #tpu.memory_space<vmem>>) semaphore(%arg16 : memref<!tpu.dma_semaphore, #tpu.memory_space<semaphore_mem>>) {add = true}
      %dma_wait3A_122 = arith.constant 0 : i32
      %dma_wait3A_123 = arith.constant 0 : i32
      %dma_wait3A_124 = tpu.memref_slice %arg14[%dma_wait3A_122, %dma_wait3A_123] : memref<10240x144xf32, #tpu.memory_space<vmem_shared>> -> memref<80x144xf32, #tpu.memory_space<vmem_shared>>
      %dma_wait3A_125 = arith.constant 0 : i32
      %dma_wait3A_126 = arith.constant 0 : i32
      %dma_wait3A_127 = tpu.memref_slice %arg14[%dma_wait3A_125, %dma_wait3A_126] : memref<10240x144xf32, #tpu.memory_space<vmem_shared>> -> memref<80x144xf32, #tpu.memory_space<vmem_shared>>
      tpu.wait_dma2 semaphore(%arg17 : memref<!tpu.dma_semaphore, #tpu.memory_space<semaphore_mem>>) src(%arg12 : memref<80x144xf32, #tpu.memory_space<vmem>>) dst(%dma_wait3A_127 : memref<80x144xf32, #tpu.memory_space<vmem_shared>>)
      %lt3A = arith.constant 124 : i32
      %lt3A_128 = arith.cmpi slt, %add3A_48, %lt3A : i32
      %convert_element_type3A_129 = arith.extui %lt3A_128 : i1 to i32
      %cond3A_130 = arith.constant 0 : i32
      %cond3A_131 = arith.cmpi ne, %convert_element_type3A_129, %cond3A_130 : i32
      scf.if %cond3A_131 {
        %add3A_146 = arith.constant 1 : i32
        %add3A_147 = arith.addi %add3A_110, %add3A_146 : i32
        %add3A_148 = arith.addi %add3A, %add3A_147 : i32
        %mul3A_149 = arith.constant 2 : i32
        %mul3A_150 = arith.muli %add3A_148, %mul3A_149 : i32
        %mul3A_151 = arith.constant 80 : i32
        %mul3A_152 = arith.muli %mul3A_150, %mul3A_151 : i32
        %dma_start3A_153 = tpu.memref_slice %arg4[%mul3A_152] : memref<1280000xi32, #tpu.memory_space<hbm>> -> memref<160xi32, #tpu.memory_space<hbm>>
        %dma_start3A_154 = tpu.memref_slice %arg4[%mul3A_152] : memref<1280000xi32, #tpu.memory_space<hbm>> -> memref<160xi32, #tpu.memory_space<hbm>>
        tpu.enqueue_dma source(%dma_start3A_154 : memref<160xi32, #tpu.memory_space<hbm>>) target(%arg8 : memref<160xi32, #tpu.memory_space<vmem>>) target_semaphore(%arg19 : memref<!tpu.dma_semaphore, #tpu.memory_space<semaphore_mem>>)
        %mul3A_155 = arith.constant 80 : i32
        %mul3A_156 = arith.muli %add3A_147, %mul3A_155 : i32
        %add3A_157 = arith.addi %mul3A_6, %mul3A_156 : i32
        %dma_start3A_158 = tpu.memref_slice %arg5[%add3A_157] : memref<320000xi32, #tpu.memory_space<hbm>> -> memref<80xi32, #tpu.memory_space<hbm>>
        %dma_start3A_159 = tpu.memref_slice %arg5[%add3A_157] : memref<320000xi32, #tpu.memory_space<hbm>> -> memref<80xi32, #tpu.memory_space<hbm>>
        tpu.enqueue_dma source(%dma_start3A_159 : memref<80xi32, #tpu.memory_space<hbm>>) target(%arg10 : memref<80xi32, #tpu.memory_space<vmem>>) target_semaphore(%arg19 : memref<!tpu.dma_semaphore, #tpu.memory_space<semaphore_mem>>)
        %dma_wait3A_160 = arith.constant 0 : i32
        %dma_wait3A_161 = tpu.memref_slice %arg4[%dma_wait3A_160] : memref<1280000xi32, #tpu.memory_space<hbm>> -> memref<160xi32, #tpu.memory_space<hbm>>
        %dma_wait3A_162 = arith.constant 0 : i32
        %dma_wait3A_163 = tpu.memref_slice %arg4[%dma_wait3A_162] : memref<1280000xi32, #tpu.memory_space<hbm>> -> memref<160xi32, #tpu.memory_space<hbm>>
        tpu.wait_dma2 semaphore(%arg19 : memref<!tpu.dma_semaphore, #tpu.memory_space<semaphore_mem>>) src(%dma_wait3A_163 : memref<160xi32, #tpu.memory_space<hbm>>) dst(%arg8 : memref<160xi32, #tpu.memory_space<vmem>>)
        %dma_wait3A_164 = arith.constant 0 : i32
        %dma_wait3A_165 = tpu.memref_slice %arg5[%dma_wait3A_164] : memref<320000xi32, #tpu.memory_space<hbm>> -> memref<80xi32, #tpu.memory_space<hbm>>
        %dma_wait3A_166 = arith.constant 0 : i32
        %dma_wait3A_167 = tpu.memref_slice %arg5[%dma_wait3A_166] : memref<320000xi32, #tpu.memory_space<hbm>> -> memref<80xi32, #tpu.memory_space<hbm>>
        tpu.wait_dma2 semaphore(%arg19 : memref<!tpu.dma_semaphore, #tpu.memory_space<semaphore_mem>>) src(%dma_wait3A_167 : memref<80xi32, #tpu.memory_space<hbm>>) dst(%arg10 : memref<80xi32, #tpu.memory_space<vmem>>)
        %dma_start3A_168 = arith.constant 0 : i32
        %dma_start3A_169 = tpu.memref_slice %arg8[%dma_start3A_168] : memref<160xi32, #tpu.memory_space<vmem>> -> memref<80xi32, #tpu.memory_space<vmem>>
        %dma_start3A_170 = arith.constant 0 : i32
        %dma_start3A_171 = arith.constant 0 : i32
        %dma_start3A_172 = tpu.memref_slice %arg2[%dma_start3A_170, %dma_start3A_171] : memref<20000x144xf32, #tpu.memory_space<hbm>> -> memref<20000x144xf32, #tpu.memory_space<hbm>>
        tpu.enqueue_indirect_dma source(%dma_start3A_172 : memref<20000x144xf32, #tpu.memory_space<hbm>>) target(%arg12 : memref<80x144xf32, #tpu.memory_space<vmem>>) offsets(%dma_start3A_169 : memref<80xi32, #tpu.memory_space<vmem>>) semaphore(%arg15 : memref<!tpu.dma_semaphore, #tpu.memory_space<semaphore_mem>>)
      } else {
      }
      %dma_wait3A_132 = arith.constant 0 : i32
      %dma_wait3A_133 = arith.constant 0 : i32
      %dma_wait3A_134 = tpu.memref_slice %arg2[%dma_wait3A_132, %dma_wait3A_133] : memref<20000x144xf32, #tpu.memory_space<hbm>> -> memref<80x144xf32, #tpu.memory_space<hbm>>
      %dma_wait3A_135 = arith.constant 0 : i32
      %dma_wait3A_136 = arith.constant 0 : i32
      %dma_wait3A_137 = tpu.memref_slice %arg2[%dma_wait3A_135, %dma_wait3A_136] : memref<20000x144xf32, #tpu.memory_space<hbm>> -> memref<80x144xf32, #tpu.memory_space<hbm>>
      tpu.wait_dma2 semaphore(%arg16 : memref<!tpu.dma_semaphore, #tpu.memory_space<semaphore_mem>>) src(%dma_wait3A_137 : memref<80x144xf32, #tpu.memory_space<hbm>>) dst(%arg13 : memref<80x144xf32, #tpu.memory_space<vmem>>)
      %scan3A_138 = arith.constant 0 : i32
      %scan3A_139 = arith.constant 80 : i32
      %scan3A_140 = arith.addi %scan3A_138, %scan3A_139 : i32
      %scan3A_141 = arith.constant 2 : i32
      scf.for %scan3A_146 = %scan3A_138 to %scan3A_140 step %scan3A_141  : i32 {
        %mul3A_147 = arith.constant 1 : i32
        %mul3A_148 = arith.muli %scan3A_146, %mul3A_147 : i32
        %add3A_149 = arith.constant 0 : i32
        %add3A_150 = arith.addi %add3A_149, %mul3A_148 : i32
        %get3A = arith.index_cast %add3A_150 : i32 to index
        %get3A_151 = arith.constant 0 : index
        %get3A_152 = tpu.vector_load %arg13[%get3A, %get3A_151] {strides = array<i32>} : memref<80x144xf32, #tpu.memory_space<vmem>>, vector<1x16xf32>,
        %get3A_153 = vector.shape_cast %get3A_152 : vector<1x16xf32> to vector<16xf32>
        %max3A = arith.constant 0.000000e+00 : f32
        %max3A_154 = vector.broadcast %max3A : f32 to vector<16xf32>
        %max3A_155 = arith.maximumf %get3A_153, %max3A_154 : vector<16xf32>
        %swap3A = arith.index_cast %add3A_150 : i32 to index
        %swap3A_156 = arith.constant 0 : index
        %swap3A_157 = tpu.vector_load %arg13[%swap3A, %swap3A_156] {strides = array<i32>} : memref<80x144xf32, #tpu.memory_space<vmem>>, vector<1x16xf32>,
        %swap3A_158 = vector.shape_cast %swap3A_157 : vector<1x16xf32> to vector<16xf32>
        %swap3A_159 = vector.shape_cast %max3A_155 : vector<16xf32> to vector<1x16xf32>
        tpu.vector_store %arg13[%swap3A, %swap3A_156], %swap3A_159 {strides = array<i32>} : memref<80x144xf32, #tpu.memory_space<vmem>>, vector<1x16xf32>,
        %get3A_160 = arith.index_cast %add3A_150 : i32 to index
        %get3A_161 = arith.constant 16 : index
        %get3A_162 = tpu.vector_load %arg13[%get3A_160, %get3A_161] {strides = array<i32>} : memref<80x144xf32, #tpu.memory_space<vmem>>, vector<1x16xf32>,
        %get3A_163 = vector.shape_cast %get3A_162 : vector<1x16xf32> to vector<16xf32>
        %max3A_164 = arith.constant 0.000000e+00 : f32
        %max3A_165 = vector.broadcast %max3A_164 : f32 to vector<16xf32>
        %max3A_166 = arith.maximumf %get3A_163, %max3A_165 : vector<16xf32>
        %swap3A_167 = arith.index_cast %add3A_150 : i32 to index
        %swap3A_168 = arith.constant 16 : index
        %swap3A_169 = tpu.vector_load %arg13[%swap3A_167, %swap3A_168] {strides = array<i32>} : memref<80x144xf32, #tpu.memory_space<vmem>>, vector<1x16xf32>,
        %swap3A_170 = vector.shape_cast %swap3A_169 : vector<1x16xf32> to vector<16xf32>
        %swap3A_171 = vector.shape_cast %max3A_166 : vector<16xf32> to vector<1x16xf32>
        tpu.vector_store %arg13[%swap3A_167, %swap3A_168], %swap3A_171 {strides = array<i32>} : memref<80x144xf32, #tpu.memory_space<vmem>>, vector<1x16xf32>,
        %get3A_172 = arith.index_cast %add3A_150 : i32 to index
        %get3A_173 = arith.constant 32 : index
        %get3A_174 = tpu.vector_load %arg13[%get3A_172, %get3A_173] {strides = array<i32>} : memref<80x144xf32, #tpu.memory_space<vmem>>, vector<1x16xf32>,
        %get3A_175 = vector.shape_cast %get3A_174 : vector<1x16xf32> to vector<16xf32>
        %max3A_176 = arith.constant 0.000000e+00 : f32
        %max3A_177 = vector.broadcast %max3A_176 : f32 to vector<16xf32>
        %max3A_178 = arith.maximumf %get3A_175, %max3A_177 : vector<16xf32>
        %swap3A_179 = arith.index_cast %add3A_150 : i32 to index
        %swap3A_180 = arith.constant 32 : index
        %swap3A_181 = tpu.vector_load %arg13[%swap3A_179, %swap3A_180] {strides = array<i32>} : memref<80x144xf32, #tpu.memory_space<vmem>>, vector<1x16xf32>,
        %swap3A_182 = vector.shape_cast %swap3A_181 : vector<1x16xf32> to vector<16xf32>
        %swap3A_183 = vector.shape_cast %max3A_178 : vector<16xf32> to vector<1x16xf32>
        tpu.vector_store %arg13[%swap3A_179, %swap3A_180], %swap3A_183 {strides = array<i32>} : memref<80x144xf32, #tpu.memory_space<vmem>>, vector<1x16xf32>,
        %get3A_184 = arith.index_cast %add3A_150 : i32 to index
        %get3A_185 = arith.constant 48 : index
        %get3A_186 = tpu.vector_load %arg13[%get3A_184, %get3A_185] {strides = array<i32>} : memref<80x144xf32, #tpu.memory_space<vmem>>, vector<1x16xf32>,
        %get3A_187 = vector.shape_cast %get3A_186 : vector<1x16xf32> to vector<16xf32>
        %max3A_188 = arith.constant 0.000000e+00 : f32
        %max3A_189 = vector.broadcast %max3A_188 : f32 to vector<16xf32>
        %max3A_190 = arith.maximumf %get3A_187, %max3A_189 : vector<16xf32>
        %swap3A_191 = arith.index_cast %add3A_150 : i32 to index
        %swap3A_192 = arith.constant 48 : index
        %swap3A_193 = tpu.vector_load %arg13[%swap3A_191, %swap3A_192] {strides = array<i32>} : memref<80x144xf32, #tpu.memory_space<vmem>>, vector<1x16xf32>,
        %swap3A_194 = vector.shape_cast %swap3A_193 : vector<1x16xf32> to vector<16xf32>
        %swap3A_195 = vector.shape_cast %max3A_190 : vector<16xf32> to vector<1x16xf32>
        tpu.vector_store %arg13[%swap3A_191, %swap3A_192], %swap3A_195 {strides = array<i32>} : memref<80x144xf32, #tpu.memory_space<vmem>>, vector<1x16xf32>,
        %get3A_196 = arith.index_cast %add3A_150 : i32 to index
        %get3A_197 = arith.constant 64 : index
        %get3A_198 = tpu.vector_load %arg13[%get3A_196, %get3A_197] {strides = array<i32>} : memref<80x144xf32, #tpu.memory_space<vmem>>, vector<1x16xf32>,
        %get3A_199 = vector.shape_cast %get3A_198 : vector<1x16xf32> to vector<16xf32>
        %max3A_200 = arith.constant 0.000000e+00 : f32
        %max3A_201 = vector.broadcast %max3A_200 : f32 to vector<16xf32>
        %max3A_202 = arith.maximumf %get3A_199, %max3A_201 : vector<16xf32>
        %swap3A_203 = arith.index_cast %add3A_150 : i32 to index
        %swap3A_204 = arith.constant 64 : index
        %swap3A_205 = tpu.vector_load %arg13[%swap3A_203, %swap3A_204] {strides = array<i32>} : memref<80x144xf32, #tpu.memory_space<vmem>>, vector<1x16xf32>,
        %swap3A_206 = vector.shape_cast %swap3A_205 : vector<1x16xf32> to vector<16xf32>
        %swap3A_207 = vector.shape_cast %max3A_202 : vector<16xf32> to vector<1x16xf32>
        tpu.vector_store %arg13[%swap3A_203, %swap3A_204], %swap3A_207 {strides = array<i32>} : memref<80x144xf32, #tpu.memory_space<vmem>>, vector<1x16xf32>,
        %get3A_208 = arith.index_cast %add3A_150 : i32 to index
        %get3A_209 = arith.constant 80 : index
        %get3A_210 = tpu.vector_load %arg13[%get3A_208, %get3A_209] {strides = array<i32>} : memref<80x144xf32, #tpu.memory_space<vmem>>, vector<1x16xf32>,
        %get3A_211 = vector.shape_cast %get3A_210 : vector<1x16xf32> to vector<16xf32>
        %max3A_212 = arith.constant 0.000000e+00 : f32
        %max3A_213 = vector.broadcast %max3A_212 : f32 to vector<16xf32>
        %max3A_214 = arith.maximumf %get3A_211, %max3A_213 : vector<16xf32>
        %swap3A_215 = arith.index_cast %add3A_150 : i32 to index
        %swap3A_216 = arith.constant 80 : index
        %swap3A_217 = tpu.vector_load %arg13[%swap3A_215, %swap3A_216] {strides = array<i32>} : memref<80x144xf32, #tpu.memory_space<vmem>>, vector<1x16xf32>,
        %swap3A_218 = vector.shape_cast %swap3A_217 : vector<1x16xf32> to vector<16xf32>
        %swap3A_219 = vector.shape_cast %max3A_214 : vector<16xf32> to vector<1x16xf32>
        tpu.vector_store %arg13[%swap3A_215, %swap3A_216], %swap3A_219 {strides = array<i32>} : memref<80x144xf32, #tpu.memory_space<vmem>>, vector<1x16xf32>,
        %get3A_220 = arith.index_cast %add3A_150 : i32 to index
        %get3A_221 = arith.constant 96 : index
        %get3A_222 = tpu.vector_load %arg13[%get3A_220, %get3A_221] {strides = array<i32>} : memref<80x144xf32, #tpu.memory_space<vmem>>, vector<1x16xf32>,
        %get3A_223 = vector.shape_cast %get3A_222 : vector<1x16xf32> to vector<16xf32>
        %max3A_224 = arith.constant 0.000000e+00 : f32
        %max3A_225 = vector.broadcast %max3A_224 : f32 to vector<16xf32>
        %max3A_226 = arith.maximumf %get3A_223, %max3A_225 : vector<16xf32>
        %swap3A_227 = arith.index_cast %add3A_150 : i32 to index
        %swap3A_228 = arith.constant 96 : index
        %swap3A_229 = tpu.vector_load %arg13[%swap3A_227, %swap3A_228] {strides = array<i32>} : memref<80x144xf32, #tpu.memory_space<vmem>>, vector<1x16xf32>,
        %swap3A_230 = vector.shape_cast %swap3A_229 : vector<1x16xf32> to vector<16xf32>
        %swap3A_231 = vector.shape_cast %max3A_226 : vector<16xf32> to vector<1x16xf32>
        tpu.vector_store %arg13[%swap3A_227, %swap3A_228], %swap3A_231 {strides = array<i32>} : memref<80x144xf32, #tpu.memory_space<vmem>>, vector<1x16xf32>,
        %get3A_232 = arith.index_cast %add3A_150 : i32 to index
        %get3A_233 = arith.constant 112 : index
        %get3A_234 = tpu.vector_load %arg13[%get3A_232, %get3A_233] {strides = array<i32>} : memref<80x144xf32, #tpu.memory_space<vmem>>, vector<1x16xf32>,
        %get3A_235 = vector.shape_cast %get3A_234 : vector<1x16xf32> to vector<16xf32>
        %max3A_236 = arith.constant 0.000000e+00 : f32
        %max3A_237 = vector.broadcast %max3A_236 : f32 to vector<16xf32>
        %max3A_238 = arith.maximumf %get3A_235, %max3A_237 : vector<16xf32>
        %swap3A_239 = arith.index_cast %add3A_150 : i32 to index
        %swap3A_240 = arith.constant 112 : index
        %swap3A_241 = tpu.vector_load %arg13[%swap3A_239, %swap3A_240] {strides = array<i32>} : memref<80x144xf32, #tpu.memory_space<vmem>>, vector<1x16xf32>,
        %swap3A_242 = vector.shape_cast %swap3A_241 : vector<1x16xf32> to vector<16xf32>
        %swap3A_243 = vector.shape_cast %max3A_238 : vector<16xf32> to vector<1x16xf32>
        tpu.vector_store %arg13[%swap3A_239, %swap3A_240], %swap3A_243 {strides = array<i32>} : memref<80x144xf32, #tpu.memory_space<vmem>>, vector<1x16xf32>,
        %scan3A_244 = arith.constant 1 : i32
        %scan3A_245 = arith.addi %scan3A_146, %scan3A_244 : i32
        %mul3A_246 = arith.constant 1 : i32
        %mul3A_247 = arith.muli %scan3A_245, %mul3A_246 : i32
        %add3A_248 = arith.constant 0 : i32
        %add3A_249 = arith.addi %add3A_248, %mul3A_247 : i32
        %get3A_250 = arith.index_cast %add3A_249 : i32 to index
        %get3A_251 = arith.constant 0 : index
        %get3A_252 = tpu.vector_load %arg13[%get3A_250, %get3A_251] {strides = array<i32>} : memref<80x144xf32, #tpu.memory_space<vmem>>, vector<1x16xf32>,
        %get3A_253 = vector.shape_cast %get3A_252 : vector<1x16xf32> to vector<16xf32>
        %max3A_254 = arith.constant 0.000000e+00 : f32
        %max3A_255 = vector.broadcast %max3A_254 : f32 to vector<16xf32>
        %max3A_256 = arith.maximumf %get3A_253, %max3A_255 : vector<16xf32>
        %swap3A_257 = arith.index_cast %add3A_249 : i32 to index
        %swap3A_258 = arith.constant 0 : index
        %swap3A_259 = tpu.vector_load %arg13[%swap3A_257, %swap3A_258] {strides = array<i32>} : memref<80x144xf32, #tpu.memory_space<vmem>>, vector<1x16xf32>,
        %swap3A_260 = vector.shape_cast %swap3A_259 : vector<1x16xf32> to vector<16xf32>
        %swap3A_261 = vector.shape_cast %max3A_256 : vector<16xf32> to vector<1x16xf32>
        tpu.vector_store %arg13[%swap3A_257, %swap3A_258], %swap3A_261 {strides = array<i32>} : memref<80x144xf32, #tpu.memory_space<vmem>>, vector<1x16xf32>,
        %get3A_262 = arith.index_cast %add3A_249 : i32 to index
        %get3A_263 = arith.constant 16 : index
        %get3A_264 = tpu.vector_load %arg13[%get3A_262, %get3A_263] {strides = array<i32>} : memref<80x144xf32, #tpu.memory_space<vmem>>, vector<1x16xf32>,
        %get3A_265 = vector.shape_cast %get3A_264 : vector<1x16xf32> to vector<16xf32>
        %max3A_266 = arith.constant 0.000000e+00 : f32
        %max3A_267 = vector.broadcast %max3A_266 : f32 to vector<16xf32>
        %max3A_268 = arith.maximumf %get3A_265, %max3A_267 : vector<16xf32>
        %swap3A_269 = arith.index_cast %add3A_249 : i32 to index
        %swap3A_270 = arith.constant 16 : index
        %swap3A_271 = tpu.vector_load %arg13[%swap3A_269, %swap3A_270] {strides = array<i32>} : memref<80x144xf32, #tpu.memory_space<vmem>>, vector<1x16xf32>,
        %swap3A_272 = vector.shape_cast %swap3A_271 : vector<1x16xf32> to vector<16xf32>
        %swap3A_273 = vector.shape_cast %max3A_268 : vector<16xf32> to vector<1x16xf32>
        tpu.vector_store %arg13[%swap3A_269, %swap3A_270], %swap3A_273 {strides = array<i32>} : memref<80x144xf32, #tpu.memory_space<vmem>>, vector<1x16xf32>,
        %get3A_274 = arith.index_cast %add3A_249 : i32 to index
        %get3A_275 = arith.constant 32 : index
        %get3A_276 = tpu.vector_load %arg13[%get3A_274, %get3A_275] {strides = array<i32>} : memref<80x144xf32, #tpu.memory_space<vmem>>, vector<1x16xf32>,
        %get3A_277 = vector.shape_cast %get3A_276 : vector<1x16xf32> to vector<16xf32>
        %max3A_278 = arith.constant 0.000000e+00 : f32
        %max3A_279 = vector.broadcast %max3A_278 : f32 to vector<16xf32>
        %max3A_280 = arith.maximumf %get3A_277, %max3A_279 : vector<16xf32>
        %swap3A_281 = arith.index_cast %add3A_249 : i32 to index
        %swap3A_282 = arith.constant 32 : index
        %swap3A_283 = tpu.vector_load %arg13[%swap3A_281, %swap3A_282] {strides = array<i32>} : memref<80x144xf32, #tpu.memory_space<vmem>>, vector<1x16xf32>,
        %swap3A_284 = vector.shape_cast %swap3A_283 : vector<1x16xf32> to vector<16xf32>
        %swap3A_285 = vector.shape_cast %max3A_280 : vector<16xf32> to vector<1x16xf32>
        tpu.vector_store %arg13[%swap3A_281, %swap3A_282], %swap3A_285 {strides = array<i32>} : memref<80x144xf32, #tpu.memory_space<vmem>>, vector<1x16xf32>,
        %get3A_286 = arith.index_cast %add3A_249 : i32 to index
        %get3A_287 = arith.constant 48 : index
        %get3A_288 = tpu.vector_load %arg13[%get3A_286, %get3A_287] {strides = array<i32>} : memref<80x144xf32, #tpu.memory_space<vmem>>, vector<1x16xf32>,
        %get3A_289 = vector.shape_cast %get3A_288 : vector<1x16xf32> to vector<16xf32>
        %max3A_290 = arith.constant 0.000000e+00 : f32
        %max3A_291 = vector.broadcast %max3A_290 : f32 to vector<16xf32>
        %max3A_292 = arith.maximumf %get3A_289, %max3A_291 : vector<16xf32>
        %swap3A_293 = arith.index_cast %add3A_249 : i32 to index
        %swap3A_294 = arith.constant 48 : index
        %swap3A_295 = tpu.vector_load %arg13[%swap3A_293, %swap3A_294] {strides = array<i32>} : memref<80x144xf32, #tpu.memory_space<vmem>>, vector<1x16xf32>,
        %swap3A_296 = vector.shape_cast %swap3A_295 : vector<1x16xf32> to vector<16xf32>
        %swap3A_297 = vector.shape_cast %max3A_292 : vector<16xf32> to vector<1x16xf32>
        tpu.vector_store %arg13[%swap3A_293, %swap3A_294], %swap3A_297 {strides = array<i32>} : memref<80x144xf32, #tpu.memory_space<vmem>>, vector<1x16xf32>,
        %get3A_298 = arith.index_cast %add3A_249 : i32 to index
        %get3A_299 = arith.constant 64 : index
        %get3A_300 = tpu.vector_load %arg13[%get3A_298, %get3A_299] {strides = array<i32>} : memref<80x144xf32, #tpu.memory_space<vmem>>, vector<1x16xf32>,
        %get3A_301 = vector.shape_cast %get3A_300 : vector<1x16xf32> to vector<16xf32>
        %max3A_302 = arith.constant 0.000000e+00 : f32
        %max3A_303 = vector.broadcast %max3A_302 : f32 to vector<16xf32>
        %max3A_304 = arith.maximumf %get3A_301, %max3A_303 : vector<16xf32>
        %swap3A_305 = arith.index_cast %add3A_249 : i32 to index
        %swap3A_306 = arith.constant 64 : index
        %swap3A_307 = tpu.vector_load %arg13[%swap3A_305, %swap3A_306] {strides = array<i32>} : memref<80x144xf32, #tpu.memory_space<vmem>>, vector<1x16xf32>,
        %swap3A_308 = vector.shape_cast %swap3A_307 : vector<1x16xf32> to vector<16xf32>
        %swap3A_309 = vector.shape_cast %max3A_304 : vector<16xf32> to vector<1x16xf32>
        tpu.vector_store %arg13[%swap3A_305, %swap3A_306], %swap3A_309 {strides = array<i32>} : memref<80x144xf32, #tpu.memory_space<vmem>>, vector<1x16xf32>,
        %get3A_310 = arith.index_cast %add3A_249 : i32 to index
        %get3A_311 = arith.constant 80 : index
        %get3A_312 = tpu.vector_load %arg13[%get3A_310, %get3A_311] {strides = array<i32>} : memref<80x144xf32, #tpu.memory_space<vmem>>, vector<1x16xf32>,
        %get3A_313 = vector.shape_cast %get3A_312 : vector<1x16xf32> to vector<16xf32>
        %max3A_314 = arith.constant 0.000000e+00 : f32
        %max3A_315 = vector.broadcast %max3A_314 : f32 to vector<16xf32>
        %max3A_316 = arith.maximumf %get3A_313, %max3A_315 : vector<16xf32>
        %swap3A_317 = arith.index_cast %add3A_249 : i32 to index
        %swap3A_318 = arith.constant 80 : index
        %swap3A_319 = tpu.vector_load %arg13[%swap3A_317, %swap3A_318] {strides = array<i32>} : memref<80x144xf32, #tpu.memory_space<vmem>>, vector<1x16xf32>,
        %swap3A_320 = vector.shape_cast %swap3A_319 : vector<1x16xf32> to vector<16xf32>
        %swap3A_321 = vector.shape_cast %max3A_316 : vector<16xf32> to vector<1x16xf32>
        tpu.vector_store %arg13[%swap3A_317, %swap3A_318], %swap3A_321 {strides = array<i32>} : memref<80x144xf32, #tpu.memory_space<vmem>>, vector<1x16xf32>,
        %get3A_322 = arith.index_cast %add3A_249 : i32 to index
        %get3A_323 = arith.constant 96 : index
        %get3A_324 = tpu.vector_load %arg13[%get3A_322, %get3A_323] {strides = array<i32>} : memref<80x144xf32, #tpu.memory_space<vmem>>, vector<1x16xf32>,
        %get3A_325 = vector.shape_cast %get3A_324 : vector<1x16xf32> to vector<16xf32>
        %max3A_326 = arith.constant 0.000000e+00 : f32
        %max3A_327 = vector.broadcast %max3A_326 : f32 to vector<16xf32>
        %max3A_328 = arith.maximumf %get3A_325, %max3A_327 : vector<16xf32>
        %swap3A_329 = arith.index_cast %add3A_249 : i32 to index
        %swap3A_330 = arith.constant 96 : index
        %swap3A_331 = tpu.vector_load %arg13[%swap3A_329, %swap3A_330] {strides = array<i32>} : memref<80x144xf32, #tpu.memory_space<vmem>>, vector<1x16xf32>,
        %swap3A_332 = vector.shape_cast %swap3A_331 : vector<1x16xf32> to vector<16xf32>
        %swap3A_333 = vector.shape_cast %max3A_328 : vector<16xf32> to vector<1x16xf32>
        tpu.vector_store %arg13[%swap3A_329, %swap3A_330], %swap3A_333 {strides = array<i32>} : memref<80x144xf32, #tpu.memory_space<vmem>>, vector<1x16xf32>,
        %get3A_334 = arith.index_cast %add3A_249 : i32 to index
        %get3A_335 = arith.constant 112 : index
        %get3A_336 = tpu.vector_load %arg13[%get3A_334, %get3A_335] {strides = array<i32>} : memref<80x144xf32, #tpu.memory_space<vmem>>, vector<1x16xf32>,
        %get3A_337 = vector.shape_cast %get3A_336 : vector<1x16xf32> to vector<16xf32>
        %max3A_338 = arith.constant 0.000000e+00 : f32
        %max3A_339 = vector.broadcast %max3A_338 : f32 to vector<16xf32>
        %max3A_340 = arith.maximumf %get3A_337, %max3A_339 : vector<16xf32>
        %swap3A_341 = arith.index_cast %add3A_249 : i32 to index
        %swap3A_342 = arith.constant 112 : index
        %swap3A_343 = tpu.vector_load %arg13[%swap3A_341, %swap3A_342] {strides = array<i32>} : memref<80x144xf32, #tpu.memory_space<vmem>>, vector<1x16xf32>,
        %swap3A_344 = vector.shape_cast %swap3A_343 : vector<1x16xf32> to vector<16xf32>
        %swap3A_345 = vector.shape_cast %max3A_340 : vector<16xf32> to vector<1x16xf32>
        tpu.vector_store %arg13[%swap3A_341, %swap3A_342], %swap3A_345 {strides = array<i32>} : memref<80x144xf32, #tpu.memory_space<vmem>>, vector<1x16xf32>,
      }
      %scan3A_142 = arith.constant 80 : i32
      %dma_start3A_143 = arith.constant 0 : i32
      %dma_start3A_144 = arith.constant 0 : i32
      %dma_start3A_145 = tpu.memref_slice %arg14[%dma_start3A_143, %dma_start3A_144] : memref<10240x144xf32, #tpu.memory_space<vmem_shared>> -> memref<10240x144xf32, #tpu.memory_space<vmem_shared>>
      tpu.enqueue_indirect_dma source(%arg13 : memref<80x144xf32, #tpu.memory_space<vmem>>) target(%dma_start3A_145 : memref<10240x144xf32, #tpu.memory_space<vmem_shared>>) offsets(%arg11 : memref<80xi32, #tpu.memory_space<vmem>>) semaphore(%arg18 : memref<!tpu.dma_semaphore, #tpu.memory_space<semaphore_mem>>) {add = true}
    }
    %scan3A_33 = arith.constant 125 : i32
    %dma_wait3A_34 = arith.constant 0 : i32
    %dma_wait3A_35 = arith.constant 0 : i32
    %dma_wait3A_36 = tpu.memref_slice %arg14[%dma_wait3A_34, %dma_wait3A_35] : memref<10240x144xf32, #tpu.memory_space<vmem_shared>> -> memref<80x144xf32, #tpu.memory_space<vmem_shared>>
    %dma_wait3A_37 = arith.constant 0 : i32
    %dma_wait3A_38 = arith.constant 0 : i32
    %dma_wait3A_39 = tpu.memref_slice %arg14[%dma_wait3A_37, %dma_wait3A_38] : memref<10240x144xf32, #tpu.memory_space<vmem_shared>> -> memref<80x144xf32, #tpu.memory_space<vmem_shared>>
    tpu.wait_dma2 semaphore(%arg18 : memref<!tpu.dma_semaphore, #tpu.memory_space<semaphore_mem>>) src(%arg13 : memref<80x144xf32, #tpu.memory_space<vmem>>) dst(%dma_wait3A_39 : memref<80x144xf32, #tpu.memory_space<vmem_shared>>)
    %barrier3A_40 = arith.constant 0 : index
    tpu.barrier barrier_id(%barrier3A_40)
    %mul3A_41 = arith.constant 10240 : i32
    %mul3A_42 = arith.muli %arg0, %mul3A_41 : i32
    %add3A_43 = arith.addi %mul3A_42, %mul3A_0 : i32
    "tpu.region"() ({
      %run_scoped3A = tpu.sem_alloc : memref<!tpu.dma_semaphore, #tpu.memory_space<semaphore_mem>>
      %dma_start3A_44 = arith.constant 0 : i32
      %dma_start3A_45 = tpu.memref_slice %arg7[%add3A_43, %dma_start3A_44] : memref<20480x144xf32, #tpu.memory_space<hbm>> -> memref<640x144xf32, #tpu.memory_space<hbm>>
      %dma_start3A_46 = arith.constant 0 : i32
      %dma_start3A_47 = tpu.memref_slice %arg14[%mul3A_0, %dma_start3A_46] : memref<10240x144xf32, #tpu.memory_space<vmem_shared>> -> memref<640x144xf32, #tpu.memory_space<vmem_shared>>
      tpu.enqueue_dma source(%dma_start3A_47 : memref<640x144xf32, #tpu.memory_space<vmem_shared>>) target(%dma_start3A_45 : memref<640x144xf32, #tpu.memory_space<hbm>>) target_semaphore(%run_scoped3A : memref<!tpu.dma_semaphore, #tpu.memory_space<semaphore_mem>>)
      %dma_wait3A_48 = arith.constant 0 : i32
      %dma_wait3A_49 = tpu.memref_slice %arg7[%add3A_43, %dma_wait3A_48] : memref<20480x144xf32, #tpu.memory_space<hbm>> -> memref<640x144xf32, #tpu.memory_space<hbm>>
      %dma_wait3A_50 = arith.constant 0 : i32
      %dma_wait3A_51 = tpu.memref_slice %arg14[%mul3A_0, %dma_wait3A_50] : memref<10240x144xf32, #tpu.memory_space<vmem_shared>> -> memref<640x144xf32, #tpu.memory_space<vmem_shared>>
      tpu.wait_dma2 semaphore(%run_scoped3A : memref<!tpu.dma_semaphore, #tpu.memory_space<semaphore_mem>>) src(%dma_wait3A_51 : memref<640x144xf32, #tpu.memory_space<vmem_shared>>) dst(%dma_wait3A_49 : memref<640x144xf32, #tpu.memory_space<hbm>>)
      tpu.yield
    }) : () -> ()
    return
  }
}

module attributes {stable_mosaic.version = 14 : i64} {
  func.func @_tc1_body(%arg0: i32, %arg1: memref<2000x128xf32, #tpu.memory_space<vmem>>, %arg2: memref<2000x128xf32, #tpu.memory_space<vmem>>, %arg3: memref<2000x128xf32, #tpu.memory_space<vmem>>, %arg4: memref<128x256xf32, #tpu.memory_space<vmem>>, %arg5: memref<1x256xf32, #tpu.memory_space<vmem>>, %arg6: memref<256x128xf32, #tpu.memory_space<vmem>>, %arg7: memref<1x128xf32, #tpu.memory_space<vmem>>, %arg8: memref<128x512xf32, #tpu.memory_space<vmem>>, %arg9: memref<128x512xf32, #tpu.memory_space<vmem>>, %arg10: memref<1x512xf32, #tpu.memory_space<vmem>>, %arg11: memref<128x128xf32, #tpu.memory_space<vmem>>, %arg12: memref<1x128xf32, #tpu.memory_space<vmem>>, %arg13: memref<128x256xf32, #tpu.memory_space<vmem>>, %arg14: memref<128x256xf32, #tpu.memory_space<vmem>>, %arg15: memref<1x256xf32, #tpu.memory_space<vmem>>, %arg16: memref<2000x128xf32, #tpu.memory_space<vmem>>, %arg17: memref<2000x128xf32, #tpu.memory_space<vmem>>, %arg18: memref<2000x128xf32, #tpu.memory_space<vmem>>, %arg19: memref<2x2000x144xf32, #tpu.memory_space<vmem>>, %arg20: memref<2x2000x144xf32, #tpu.memory_space<vmem>>) attributes {dimension_semantics = [#tpu.dimension_semantics<arbitrary>], iteration_bounds = array<i64: 5>, scalar_prefetch = 0 : i64, scratch_operands = 0 : i64, tpu.core_type = #tpu.core_type<tc>, window_params = [{transform_indices = @transform_0, window_bounds = array<i64: 2000, 128>}, {transform_indices = @transform_1, window_bounds = array<i64: 2000, 128>}, {transform_indices = @transform_2, window_bounds = array<i64: 2000, 128>}, {pipeline_mode = #tpu.pipeline_mode<synchronous>, transform_indices = @transform_3, window_bounds = array<i64: 128, 256>}, {pipeline_mode = #tpu.pipeline_mode<synchronous>, transform_indices = @transform_4, window_bounds = array<i64: 1, 256>}, {pipeline_mode = #tpu.pipeline_mode<synchronous>, transform_indices = @transform_5, window_bounds = array<i64: 256, 128>}, {pipeline_mode = #tpu.pipeline_mode<synchronous>, transform_indices = @transform_6, window_bounds = array<i64: 1, 128>}, {pipeline_mode = #tpu.pipeline_mode<synchronous>, transform_indices = @transform_7, window_bounds = array<i64: 128, 512>}, {pipeline_mode = #tpu.pipeline_mode<synchronous>, transform_indices = @transform_8, window_bounds = array<i64: 128, 512>}, {pipeline_mode = #tpu.pipeline_mode<synchronous>, transform_indices = @transform_9, window_bounds = array<i64: 1, 512>}, {pipeline_mode = #tpu.pipeline_mode<synchronous>, transform_indices = @transform_10, window_bounds = array<i64: 128, 128>}, {pipeline_mode = #tpu.pipeline_mode<synchronous>, transform_indices = @transform_11, window_bounds = array<i64: 1, 128>}, {pipeline_mode = #tpu.pipeline_mode<synchronous>, transform_indices = @transform_12, window_bounds = array<i64: 128, 256>}, {pipeline_mode = #tpu.pipeline_mode<synchronous>, transform_indices = @transform_13, window_bounds = array<i64: 128, 256>}, {pipeline_mode = #tpu.pipeline_mode<synchronous>, transform_indices = @transform_14, window_bounds = array<i64: 1, 256>}, {transform_indices = @transform_15, window_bounds = array<i64: 2000, 128>}, {transform_indices = @transform_16, window_bounds = array<i64: 2000, 128>}, {transform_indices = @transform_17, window_bounds = array<i64: 2000, 128>}, {transform_indices = @transform_18, window_bounds = array<i64: 2, 2000, 144>}, {transform_indices = @transform_19, window_bounds = array<i64: 2, 2000, 144>}]} {
    %get3A = arith.constant 0 : index
    %get3A_0 = arith.constant 0 : index
    %get3A_1 = vector.load %arg1[%get3A, %get3A_0] : memref<2000x128xf32, #tpu.memory_space<vmem>>, vector<2000x128xf32>
    %get3A_2 = arith.constant 0 : index
    %get3A_3 = arith.constant 0 : index
    %get3A_4 = vector.load %arg4[%get3A_2, %get3A_3] : memref<128x256xf32, #tpu.memory_space<vmem>>, vector<128x256xf32>
    %dot_general3A = arith.constant dense<0.000000e+00> : vector<2000x256xf32>
    %dot_general3A_5 = tpu.matmul %get3A_1, %get3A_4, %dot_general3A {dimension_numbers = #tpu.dot_dimension_numbers<[1], [0], [0], [1], [0, 0, 1, 1], [], []>, transpose_lhs_hint = false} : vector<2000x128xf32>, vector<128x256xf32>, vector<2000x256xf32> -> vector<2000x256xf32>
    %get3A_6 = arith.constant 0 : index
    %get3A_7 = arith.constant 0 : index
    %get3A_8 = vector.load %arg5[%get3A_6, %get3A_7] : memref<1x256xf32, #tpu.memory_space<vmem>>, vector<1x256xf32>
    %add3A = vector.broadcast %get3A_8 : vector<1x256xf32> to vector<2000x256xf32>
    %add3A_9 = arith.addf %dot_general3A_5, %add3A : vector<2000x256xf32>
    %max3A = arith.constant 0.000000e+00 : f32
    %max3A_10 = vector.broadcast %max3A : f32 to vector<2000x256xf32>
    %max3A_11 = arith.maximumf %add3A_9, %max3A_10 : vector<2000x256xf32>
    %get3A_12 = arith.constant 0 : index
    %get3A_13 = arith.constant 0 : index
    %get3A_14 = vector.load %arg6[%get3A_12, %get3A_13] : memref<256x128xf32, #tpu.memory_space<vmem>>, vector<256x128xf32>
    %dot_general3A_15 = arith.constant dense<0.000000e+00> : vector<2000x128xf32>
    %dot_general3A_16 = tpu.matmul %max3A_11, %get3A_14, %dot_general3A_15 {dimension_numbers = #tpu.dot_dimension_numbers<[1], [0], [0], [1], [0, 0, 1, 1], [], []>, transpose_lhs_hint = false} : vector<2000x256xf32>, vector<256x128xf32>, vector<2000x128xf32> -> vector<2000x128xf32>
    %get3A_17 = arith.constant 0 : index
    %get3A_18 = arith.constant 0 : index
    %get3A_19 = vector.load %arg7[%get3A_17, %get3A_18] : memref<1x128xf32, #tpu.memory_space<vmem>>, vector<1x128xf32>
    %add3A_20 = vector.broadcast %get3A_19 : vector<1x128xf32> to vector<2000x128xf32>
    %add3A_21 = arith.addf %dot_general3A_16, %add3A_20 : vector<2000x128xf32>
    %get3A_22 = arith.constant 0 : index
    %get3A_23 = arith.constant 0 : index
    %get3A_24 = vector.load %arg8[%get3A_22, %get3A_23] : memref<128x512xf32, #tpu.memory_space<vmem>>, vector<128x512xf32>
    %dot_general3A_25 = arith.constant dense<0.000000e+00> : vector<2000x512xf32>
    %dot_general3A_26 = tpu.matmul %add3A_21, %get3A_24, %dot_general3A_25 {dimension_numbers = #tpu.dot_dimension_numbers<[1], [0], [0], [1], [0, 0, 1, 1], [], []>, transpose_lhs_hint = false} : vector<2000x128xf32>, vector<128x512xf32>, vector<2000x512xf32> -> vector<2000x512xf32>
    %get3A_27 = arith.constant 0 : index
    %get3A_28 = arith.constant 0 : index
    %get3A_29 = vector.load %arg2[%get3A_27, %get3A_28] : memref<2000x128xf32, #tpu.memory_space<vmem>>, vector<2000x128xf32>
    %get3A_30 = arith.constant 0 : index
    %get3A_31 = arith.constant 0 : index
    %get3A_32 = vector.load %arg9[%get3A_30, %get3A_31] : memref<128x512xf32, #tpu.memory_space<vmem>>, vector<128x512xf32>
    %dot_general3A_33 = arith.constant dense<0.000000e+00> : vector<2000x512xf32>
    %dot_general3A_34 = tpu.matmul %get3A_29, %get3A_32, %dot_general3A_33 {dimension_numbers = #tpu.dot_dimension_numbers<[1], [0], [0], [1], [0, 0, 1, 1], [], []>, transpose_lhs_hint = false} : vector<2000x128xf32>, vector<128x512xf32>, vector<2000x512xf32> -> vector<2000x512xf32>
    %add3A_35 = arith.addf %dot_general3A_26, %dot_general3A_34 : vector<2000x512xf32>
    %get3A_36 = arith.constant 0 : index
    %get3A_37 = arith.constant 0 : index
    %get3A_38 = vector.load %arg10[%get3A_36, %get3A_37] : memref<1x512xf32, #tpu.memory_space<vmem>>, vector<1x512xf32>
    %add3A_39 = vector.broadcast %get3A_38 : vector<1x512xf32> to vector<2000x512xf32>
    %add3A_40 = arith.addf %add3A_35, %add3A_39 : vector<2000x512xf32>
    %slice3A = vector.extract_strided_slice %add3A_40 {offsets = [0, 0], sizes = [2000, 128], strides = [1, 1]} : vector<2000x512xf32> to vector<2000x128xf32>
    %neg3A = arith.constant 0.000000e+00 : f32
    %neg3A_41 = vector.broadcast %neg3A : f32 to vector<2000x128xf32>
    %neg3A_42 = arith.subf %neg3A_41, %slice3A : vector<2000x128xf32>
    %exp3A = math.exp %neg3A_42 : vector<2000x128xf32>
    %add3A_43 = arith.constant 1.000000e+00 : f32
    %add3A_44 = vector.broadcast %add3A_43 : f32 to vector<2000x128xf32>
    %add3A_45 = arith.addf %add3A_44, %exp3A : vector<2000x128xf32>
    %div3A = arith.constant 1.000000e+00 : f32
    %div3A_46 = vector.broadcast %div3A : f32 to vector<2000x128xf32>
    %div3A_47 = arith.divf %div3A_46, %add3A_45 : vector<2000x128xf32>
    %slice3A_48 = vector.extract_strided_slice %add3A_40 {offsets = [0, 128], sizes = [2000, 128], strides = [1, 1]} : vector<2000x512xf32> to vector<2000x128xf32>
    %neg3A_49 = arith.constant 0.000000e+00 : f32
    %neg3A_50 = vector.broadcast %neg3A_49 : f32 to vector<2000x128xf32>
    %neg3A_51 = arith.subf %neg3A_50, %slice3A_48 : vector<2000x128xf32>
    %exp3A_52 = math.exp %neg3A_51 : vector<2000x128xf32>
    %add3A_53 = arith.constant 1.000000e+00 : f32
    %add3A_54 = vector.broadcast %add3A_53 : f32 to vector<2000x128xf32>
    %add3A_55 = arith.addf %add3A_54, %exp3A_52 : vector<2000x128xf32>
    %div3A_56 = arith.constant 1.000000e+00 : f32
    %div3A_57 = vector.broadcast %div3A_56 : f32 to vector<2000x128xf32>
    %div3A_58 = arith.divf %div3A_57, %add3A_55 : vector<2000x128xf32>
    %slice3A_59 = vector.extract_strided_slice %add3A_40 {offsets = [0, 256], sizes = [2000, 128], strides = [1, 1]} : vector<2000x512xf32> to vector<2000x128xf32>
    %tanh3A = math.tanh %slice3A_59 : vector<2000x128xf32>
    %slice3A_60 = vector.extract_strided_slice %add3A_40 {offsets = [0, 384], sizes = [2000, 128], strides = [1, 1]} : vector<2000x512xf32> to vector<2000x128xf32>
    %neg3A_61 = arith.constant 0.000000e+00 : f32
    %neg3A_62 = vector.broadcast %neg3A_61 : f32 to vector<2000x128xf32>
    %neg3A_63 = arith.subf %neg3A_62, %slice3A_60 : vector<2000x128xf32>
    %exp3A_64 = math.exp %neg3A_63 : vector<2000x128xf32>
    %add3A_65 = arith.constant 1.000000e+00 : f32
    %add3A_66 = vector.broadcast %add3A_65 : f32 to vector<2000x128xf32>
    %add3A_67 = arith.addf %add3A_66, %exp3A_64 : vector<2000x128xf32>
    %div3A_68 = arith.constant 1.000000e+00 : f32
    %div3A_69 = vector.broadcast %div3A_68 : f32 to vector<2000x128xf32>
    %div3A_70 = arith.divf %div3A_69, %add3A_67 : vector<2000x128xf32>
    %get3A_71 = arith.constant 0 : index
    %get3A_72 = arith.constant 0 : index
    %get3A_73 = vector.load %arg3[%get3A_71, %get3A_72] : memref<2000x128xf32, #tpu.memory_space<vmem>>, vector<2000x128xf32>
    %mul3A = arith.mulf %div3A_58, %get3A_73 : vector<2000x128xf32>
    %mul3A_74 = arith.mulf %div3A_47, %tanh3A : vector<2000x128xf32>
    %add3A_75 = arith.addf %mul3A, %mul3A_74 : vector<2000x128xf32>
    %tanh3A_76 = math.tanh %add3A_75 : vector<2000x128xf32>
    %mul3A_77 = arith.mulf %div3A_70, %tanh3A_76 : vector<2000x128xf32>
    %max3A_78 = arith.constant 0.000000e+00 : f32
    %max3A_79 = vector.broadcast %max3A_78 : f32 to vector<2000x128xf32>
    %max3A_80 = arith.maximumf %mul3A_77, %max3A_79 : vector<2000x128xf32>
    %get3A_81 = arith.constant 0 : index
    %get3A_82 = arith.constant 0 : index
    %get3A_83 = vector.load %arg11[%get3A_81, %get3A_82] : memref<128x128xf32, #tpu.memory_space<vmem>>, vector<128x128xf32>
    %dot_general3A_84 = arith.constant dense<0.000000e+00> : vector<2000x128xf32>
    %dot_general3A_85 = tpu.matmul %max3A_80, %get3A_83, %dot_general3A_84 {dimension_numbers = #tpu.dot_dimension_numbers<[1], [0], [0], [1], [0, 0, 1, 1], [], []>, transpose_lhs_hint = false} : vector<2000x128xf32>, vector<128x128xf32>, vector<2000x128xf32> -> vector<2000x128xf32>
    %get3A_86 = arith.constant 0 : index
    %get3A_87 = arith.constant 0 : index
    %get3A_88 = vector.load %arg12[%get3A_86, %get3A_87] : memref<1x128xf32, #tpu.memory_space<vmem>>, vector<1x128xf32>
    %add3A_89 = vector.broadcast %get3A_88 : vector<1x128xf32> to vector<2000x128xf32>
    %add3A_90 = arith.addf %dot_general3A_85, %add3A_89 : vector<2000x128xf32>
    %get3A_91 = arith.constant 0 : index
    %get3A_92 = arith.constant 0 : index
    %get3A_93 = vector.load %arg13[%get3A_91, %get3A_92] : memref<128x256xf32, #tpu.memory_space<vmem>>, vector<128x256xf32>
    %dot_general3A_94 = arith.constant dense<0.000000e+00> : vector<2000x256xf32>
    %dot_general3A_95 = tpu.matmul %add3A_90, %get3A_93, %dot_general3A_94 {dimension_numbers = #tpu.dot_dimension_numbers<[1], [0], [0], [1], [0, 0, 1, 1], [], []>, transpose_lhs_hint = false} : vector<2000x128xf32>, vector<128x256xf32>, vector<2000x256xf32> -> vector<2000x256xf32>
    %get3A_96 = arith.constant 0 : index
    %get3A_97 = arith.constant 0 : index
    %get3A_98 = vector.load %arg14[%get3A_96, %get3A_97] : memref<128x256xf32, #tpu.memory_space<vmem>>, vector<128x256xf32>
    %dot_general3A_99 = arith.constant dense<0.000000e+00> : vector<2000x256xf32>
    %dot_general3A_100 = tpu.matmul %add3A_90, %get3A_98, %dot_general3A_99 {dimension_numbers = #tpu.dot_dimension_numbers<[1], [0], [0], [1], [0, 0, 1, 1], [], []>, transpose_lhs_hint = false} : vector<2000x128xf32>, vector<128x256xf32>, vector<2000x256xf32> -> vector<2000x256xf32>
    %get3A_101 = arith.constant 0 : index
    %get3A_102 = arith.constant 0 : index
    %get3A_103 = vector.load %arg15[%get3A_101, %get3A_102] : memref<1x256xf32, #tpu.memory_space<vmem>>, vector<1x256xf32>
    %add3A_104 = vector.broadcast %get3A_103 : vector<1x256xf32> to vector<2000x256xf32>
    %add3A_105 = arith.addf %dot_general3A_100, %add3A_104 : vector<2000x256xf32>
    %swap3A = arith.constant 0 : index
    %swap3A_106 = arith.constant 0 : index
    %swap3A_107 = vector.load %arg16[%swap3A, %swap3A_106] : memref<2000x128xf32, #tpu.memory_space<vmem>>, vector<2000x128xf32>
    tpu.vector_store %arg16[%swap3A, %swap3A_106], %mul3A_77 {strides = array<i32>} : memref<2000x128xf32, #tpu.memory_space<vmem>>, vector<2000x128xf32>,
    %swap3A_108 = arith.constant 0 : index
    %swap3A_109 = arith.constant 0 : index
    %swap3A_110 = vector.load %arg17[%swap3A_108, %swap3A_109] : memref<2000x128xf32, #tpu.memory_space<vmem>>, vector<2000x128xf32>
    tpu.vector_store %arg17[%swap3A_108, %swap3A_109], %add3A_75 {strides = array<i32>} : memref<2000x128xf32, #tpu.memory_space<vmem>>, vector<2000x128xf32>,
    %swap3A_111 = arith.constant 0 : index
    %swap3A_112 = arith.constant 0 : index
    %swap3A_113 = vector.load %arg18[%swap3A_111, %swap3A_112] : memref<2000x128xf32, #tpu.memory_space<vmem>>, vector<2000x128xf32>
    tpu.vector_store %arg18[%swap3A_111, %swap3A_112], %add3A_90 {strides = array<i32>} : memref<2000x128xf32, #tpu.memory_space<vmem>>, vector<2000x128xf32>,
    %iota3A = tpu.iota {dimensions = array<i32: 1>} : vector<2000x16xi32>
    %eq3A = arith.constant 0 : i32
    %eq3A_114 = vector.broadcast %eq3A : i32 to vector<2000x16xi32>
    %eq3A_115 = arith.cmpi eq, %iota3A, %eq3A_114 : vector<2000x16xi32>
    %jit3A = arith.constant 1.000000e+00 : f32
    %jit3A_116 = arith.constant 0.000000e+00 : f32
    %broadcast_in_dim3A = vector.broadcast %jit3A : f32 to vector<2000x16xf32>
    %broadcast_in_dim3A_117 = vector.broadcast %jit3A_116 : f32 to vector<2000x16xf32>
    %select_n3A = arith.select %eq3A_115, %broadcast_in_dim3A, %broadcast_in_dim3A_117 : vector<2000x16xi1>, vector<2000x16xf32>
    %broadcast_in_dim3A_118 = arith.constant 0.000000e+00 : f32
    %broadcast_in_dim3A_119 = vector.broadcast %broadcast_in_dim3A_118 : f32 to vector<2000x16xf32>
    %slice3A_120 = vector.extract_strided_slice %dot_general3A_95 {offsets = [0, 0], sizes = [2000, 128], strides = [1, 1]} : vector<2000x256xf32> to vector<2000x128xf32>
    %concatenate3A = tpu.concatenate %slice3A_120, %select_n3A in 1 : vector<2000x128xf32>, vector<2000x16xf32> -> vector<2000x144xf32>
    %swap3A_121 = arith.constant 0 : index
    %swap3A_122 = arith.constant 0 : index
    %swap3A_123 = arith.constant 0 : index
    %swap3A_124 = vector.load %arg19[%swap3A_121, %swap3A_122, %swap3A_123] : memref<2x2000x144xf32, #tpu.memory_space<vmem>>, vector<1x2000x144xf32>
    %swap3A_125 = vector.shape_cast %swap3A_124 : vector<1x2000x144xf32> to vector<2000x144xf32>
    %swap3A_126 = vector.shape_cast %concatenate3A : vector<2000x144xf32> to vector<1x2000x144xf32>
    tpu.vector_store %arg19[%swap3A_121, %swap3A_122, %swap3A_123], %swap3A_126 {strides = array<i32>} : memref<2x2000x144xf32, #tpu.memory_space<vmem>>, vector<1x2000x144xf32>,
    %slice3A_127 = vector.extract_strided_slice %dot_general3A_95 {offsets = [0, 128], sizes = [2000, 128], strides = [1, 1]} : vector<2000x256xf32> to vector<2000x128xf32>
    %concatenate3A_128 = tpu.concatenate %slice3A_127, %select_n3A in 1 : vector<2000x128xf32>, vector<2000x16xf32> -> vector<2000x144xf32>
    %swap3A_129 = arith.constant 1 : index
    %swap3A_130 = arith.constant 0 : index
    %swap3A_131 = arith.constant 0 : index
    %swap3A_132 = vector.load %arg19[%swap3A_129, %swap3A_130, %swap3A_131] : memref<2x2000x144xf32, #tpu.memory_space<vmem>>, vector<1x2000x144xf32>
    %swap3A_133 = vector.shape_cast %swap3A_132 : vector<1x2000x144xf32> to vector<2000x144xf32>
    %swap3A_134 = vector.shape_cast %concatenate3A_128 : vector<2000x144xf32> to vector<1x2000x144xf32>
    tpu.vector_store %arg19[%swap3A_129, %swap3A_130, %swap3A_131], %swap3A_134 {strides = array<i32>} : memref<2x2000x144xf32, #tpu.memory_space<vmem>>, vector<1x2000x144xf32>,
    %slice3A_135 = vector.extract_strided_slice %add3A_105 {offsets = [0, 0], sizes = [2000, 128], strides = [1, 1]} : vector<2000x256xf32> to vector<2000x128xf32>
    %concatenate3A_136 = tpu.concatenate %slice3A_135, %broadcast_in_dim3A_119 in 1 : vector<2000x128xf32>, vector<2000x16xf32> -> vector<2000x144xf32>
    %swap3A_137 = arith.constant 0 : index
    %swap3A_138 = arith.constant 0 : index
    %swap3A_139 = arith.constant 0 : index
    %swap3A_140 = vector.load %arg20[%swap3A_137, %swap3A_138, %swap3A_139] : memref<2x2000x144xf32, #tpu.memory_space<vmem>>, vector<1x2000x144xf32>
    %swap3A_141 = vector.shape_cast %swap3A_140 : vector<1x2000x144xf32> to vector<2000x144xf32>
    %swap3A_142 = vector.shape_cast %concatenate3A_136 : vector<2000x144xf32> to vector<1x2000x144xf32>
    tpu.vector_store %arg20[%swap3A_137, %swap3A_138, %swap3A_139], %swap3A_142 {strides = array<i32>} : memref<2x2000x144xf32, #tpu.memory_space<vmem>>, vector<1x2000x144xf32>,
    %slice3A_143 = vector.extract_strided_slice %add3A_105 {offsets = [0, 128], sizes = [2000, 128], strides = [1, 1]} : vector<2000x256xf32> to vector<2000x128xf32>
    %concatenate3A_144 = tpu.concatenate %slice3A_143, %broadcast_in_dim3A_119 in 1 : vector<2000x128xf32>, vector<2000x16xf32> -> vector<2000x144xf32>
    %swap3A_145 = arith.constant 1 : index
    %swap3A_146 = arith.constant 0 : index
    %swap3A_147 = arith.constant 0 : index
    %swap3A_148 = vector.load %arg20[%swap3A_145, %swap3A_146, %swap3A_147] : memref<2x2000x144xf32, #tpu.memory_space<vmem>>, vector<1x2000x144xf32>
    %swap3A_149 = vector.shape_cast %swap3A_148 : vector<1x2000x144xf32> to vector<2000x144xf32>
    %swap3A_150 = vector.shape_cast %concatenate3A_144 : vector<2000x144xf32> to vector<1x2000x144xf32>
    tpu.vector_store %arg20[%swap3A_145, %swap3A_146, %swap3A_147], %swap3A_150 {strides = array<i32>} : memref<2x2000x144xf32, #tpu.memory_space<vmem>>, vector<1x2000x144xf32>,
    return
  }
  func.func @transform_0(%arg0: i32) -> (i32, i32) {
    %c0_i32 = arith.constant 0 : i32
    %c0_i32_0 = arith.constant 0 : i32
    return %arg0, %c0_i32 : i32, i32
  }
  func.func @transform_1(%arg0: i32) -> (i32, i32) {
    %c0_i32 = arith.constant 0 : i32
    %c0_i32_0 = arith.constant 0 : i32
    return %arg0, %c0_i32 : i32, i32
  }
  func.func @transform_2(%arg0: i32) -> (i32, i32) {
    %c0_i32 = arith.constant 0 : i32
    %c0_i32_0 = arith.constant 0 : i32
    return %arg0, %c0_i32 : i32, i32
  }
  func.func @transform_3(%arg0: i32) -> (i32, i32) {
    %c0_i32 = arith.constant 0 : i32
    %c0_i32_0 = arith.constant 0 : i32
    %c0_i32_1 = arith.constant 0 : i32
    return %c0_i32, %c0_i32_0 : i32, i32
  }
  func.func @transform_4(%arg0: i32) -> (i32, i32) {
    %c0_i32 = arith.constant 0 : i32
    %c0_i32_0 = arith.constant 0 : i32
    %c0_i32_1 = arith.constant 0 : i32
    return %c0_i32, %c0_i32_0 : i32, i32
  }
  func.func @transform_5(%arg0: i32) -> (i32, i32) {
    %c0_i32 = arith.constant 0 : i32
    %c0_i32_0 = arith.constant 0 : i32
    %c0_i32_1 = arith.constant 0 : i32
    return %c0_i32, %c0_i32_0 : i32, i32
  }
  func.func @transform_6(%arg0: i32) -> (i32, i32) {
    %c0_i32 = arith.constant 0 : i32
    %c0_i32_0 = arith.constant 0 : i32
    %c0_i32_1 = arith.constant 0 : i32
    return %c0_i32, %c0_i32_0 : i32, i32
  }
  func.func @transform_7(%arg0: i32) -> (i32, i32) {
    %c0_i32 = arith.constant 0 : i32
    %c0_i32_0 = arith.constant 0 : i32
    %c0_i32_1 = arith.constant 0 : i32
    return %c0_i32, %c0_i32_0 : i32, i32
  }
  func.func @transform_8(%arg0: i32) -> (i32, i32) {
    %c0_i32 = arith.constant 0 : i32
    %c0_i32_0 = arith.constant 0 : i32
    %c0_i32_1 = arith.constant 0 : i32
    return %c0_i32, %c0_i32_0 : i32, i32
  }
  func.func @transform_9(%arg0: i32) -> (i32, i32) {
    %c0_i32 = arith.constant 0 : i32
    %c0_i32_0 = arith.constant 0 : i32
    %c0_i32_1 = arith.constant 0 : i32
    return %c0_i32, %c0_i32_0 : i32, i32
  }
  func.func @transform_10(%arg0: i32) -> (i32, i32) {
    %c0_i32 = arith.constant 0 : i32
    %c0_i32_0 = arith.constant 0 : i32
    %c0_i32_1 = arith.constant 0 : i32
    return %c0_i32, %c0_i32_0 : i32, i32
  }
  func.func @transform_11(%arg0: i32) -> (i32, i32) {
    %c0_i32 = arith.constant 0 : i32
    %c0_i32_0 = arith.constant 0 : i32
    %c0_i32_1 = arith.constant 0 : i32
    return %c0_i32, %c0_i32_0 : i32, i32
  }
  func.func @transform_12(%arg0: i32) -> (i32, i32) {
    %c0_i32 = arith.constant 0 : i32
    %c0_i32_0 = arith.constant 0 : i32
    %c0_i32_1 = arith.constant 0 : i32
    return %c0_i32, %c0_i32_0 : i32, i32
  }
  func.func @transform_13(%arg0: i32) -> (i32, i32) {
    %c0_i32 = arith.constant 0 : i32
    %c0_i32_0 = arith.constant 0 : i32
    %c0_i32_1 = arith.constant 0 : i32
    return %c0_i32, %c0_i32_0 : i32, i32
  }
  func.func @transform_14(%arg0: i32) -> (i32, i32) {
    %c0_i32 = arith.constant 0 : i32
    %c0_i32_0 = arith.constant 0 : i32
    %c0_i32_1 = arith.constant 0 : i32
    return %c0_i32, %c0_i32_0 : i32, i32
  }
  func.func @transform_15(%arg0: i32) -> (i32, i32) {
    %c0_i32 = arith.constant 0 : i32
    %c0_i32_0 = arith.constant 0 : i32
    return %arg0, %c0_i32 : i32, i32
  }
  func.func @transform_16(%arg0: i32) -> (i32, i32) {
    %c0_i32 = arith.constant 0 : i32
    %c0_i32_0 = arith.constant 0 : i32
    return %arg0, %c0_i32 : i32, i32
  }
  func.func @transform_17(%arg0: i32) -> (i32, i32) {
    %c0_i32 = arith.constant 0 : i32
    %c0_i32_0 = arith.constant 0 : i32
    return %arg0, %c0_i32 : i32, i32
  }
  func.func @transform_18(%arg0: i32) -> (i32, i32, i32) {
    %c0_i32 = arith.constant 0 : i32
    %c0_i32_0 = arith.constant 0 : i32
    %c0_i32_1 = arith.constant 0 : i32
    return %c0_i32, %arg0, %c0_i32_0 : i32, i32, i32
  }
  func.func @transform_19(%arg0: i32) -> (i32, i32, i32) {
    %c0_i32 = arith.constant 0 : i32
    %c0_i32_0 = arith.constant 0 : i32
    %c0_i32_1 = arith.constant 0 : i32
    return %c0_i32, %arg0, %c0_i32_0 : i32, i32, i32
  }
}

module attributes {stable_mosaic.version = 14 : i64} {
  func.func @_tc2_body(%arg0: i32, %arg1: memref<2000x144xf32, #tpu.memory_space<vmem>>, %arg2: memref<2000x144xf32, #tpu.memory_space<vmem>>, %arg3: memref<2000x128xf32, #tpu.memory_space<vmem>>, %arg4: memref<144x128xf32, #tpu.memory_space<vmem>>, %arg5: memref<144x128xf32, #tpu.memory_space<vmem>>, %arg6: memref<1x128xf32, #tpu.memory_space<vmem>>, %arg7: memref<128x256xf32, #tpu.memory_space<vmem>>, %arg8: memref<128x256xf32, #tpu.memory_space<vmem>>, %arg9: memref<1x256xf32, #tpu.memory_space<vmem>>, %arg10: memref<256x128xf32, #tpu.memory_space<vmem>>, %arg11: memref<1x128xf32, #tpu.memory_space<vmem>>, %arg12: memref<128x128xf32, #tpu.memory_space<vmem>>, %arg13: memref<1x128xf32, #tpu.memory_space<vmem>>, %arg14: memref<128x16xf32, #tpu.memory_space<vmem>>, %arg15: memref<1x16xf32, #tpu.memory_space<vmem>>, %arg16: memref<2000x16xf32, #tpu.memory_space<vmem>>) attributes {dimension_semantics = [#tpu.dimension_semantics<arbitrary>], iteration_bounds = array<i64: 5>, scalar_prefetch = 0 : i64, scratch_operands = 0 : i64, tpu.core_type = #tpu.core_type<tc>, window_params = [{transform_indices = @transform_0, window_bounds = array<i64: 2000, 144>}, {transform_indices = @transform_1, window_bounds = array<i64: 2000, 144>}, {transform_indices = @transform_2, window_bounds = array<i64: 2000, 128>}, {pipeline_mode = #tpu.pipeline_mode<synchronous>, transform_indices = @transform_3, window_bounds = array<i64: 144, 128>}, {pipeline_mode = #tpu.pipeline_mode<synchronous>, transform_indices = @transform_4, window_bounds = array<i64: 144, 128>}, {pipeline_mode = #tpu.pipeline_mode<synchronous>, transform_indices = @transform_5, window_bounds = array<i64: 1, 128>}, {pipeline_mode = #tpu.pipeline_mode<synchronous>, transform_indices = @transform_6, window_bounds = array<i64: 128, 256>}, {pipeline_mode = #tpu.pipeline_mode<synchronous>, transform_indices = @transform_7, window_bounds = array<i64: 128, 256>}, {pipeline_mode = #tpu.pipeline_mode<synchronous>, transform_indices = @transform_8, window_bounds = array<i64: 1, 256>}, {pipeline_mode = #tpu.pipeline_mode<synchronous>, transform_indices = @transform_9, window_bounds = array<i64: 256, 128>}, {pipeline_mode = #tpu.pipeline_mode<synchronous>, transform_indices = @transform_10, window_bounds = array<i64: 1, 128>}, {pipeline_mode = #tpu.pipeline_mode<synchronous>, transform_indices = @transform_11, window_bounds = array<i64: 128, 128>}, {pipeline_mode = #tpu.pipeline_mode<synchronous>, transform_indices = @transform_12, window_bounds = array<i64: 1, 128>}, {pipeline_mode = #tpu.pipeline_mode<synchronous>, transform_indices = @transform_13, window_bounds = array<i64: 128, 16>}, {pipeline_mode = #tpu.pipeline_mode<synchronous>, transform_indices = @transform_14, window_bounds = array<i64: 1, 16>}, {transform_indices = @transform_15, window_bounds = array<i64: 2000, 16>}]} {
    %get3A = arith.constant 0 : index
    %get3A_0 = arith.constant 0 : index
    %get3A_1 = vector.load %arg1[%get3A, %get3A_0] : memref<2000x144xf32, #tpu.memory_space<vmem>>, vector<2000x144xf32>
    %get3A_2 = arith.constant 0 : index
    %get3A_3 = arith.constant 0 : index
    %get3A_4 = vector.load %arg4[%get3A_2, %get3A_3] : memref<144x128xf32, #tpu.memory_space<vmem>>, vector<144x128xf32>
    %dot_general3A = arith.constant dense<0.000000e+00> : vector<2000x128xf32>
    %dot_general3A_5 = tpu.matmul %get3A_1, %get3A_4, %dot_general3A {dimension_numbers = #tpu.dot_dimension_numbers<[1], [0], [0], [1], [0, 0, 1, 1], [], []>, transpose_lhs_hint = false} : vector<2000x144xf32>, vector<144x128xf32>, vector<2000x128xf32> -> vector<2000x128xf32>
    %get3A_6 = arith.constant 0 : index
    %get3A_7 = arith.constant 0 : index
    %get3A_8 = vector.load %arg2[%get3A_6, %get3A_7] : memref<2000x144xf32, #tpu.memory_space<vmem>>, vector<2000x144xf32>
    %get3A_9 = arith.constant 0 : index
    %get3A_10 = arith.constant 0 : index
    %get3A_11 = vector.load %arg5[%get3A_9, %get3A_10] : memref<144x128xf32, #tpu.memory_space<vmem>>, vector<144x128xf32>
    %dot_general3A_12 = arith.constant dense<0.000000e+00> : vector<2000x128xf32>
    %dot_general3A_13 = tpu.matmul %get3A_8, %get3A_11, %dot_general3A_12 {dimension_numbers = #tpu.dot_dimension_numbers<[1], [0], [0], [1], [0, 0, 1, 1], [], []>, transpose_lhs_hint = false} : vector<2000x144xf32>, vector<144x128xf32>, vector<2000x128xf32> -> vector<2000x128xf32>
    %add3A = arith.addf %dot_general3A_5, %dot_general3A_13 : vector<2000x128xf32>
    %get3A_14 = arith.constant 0 : index
    %get3A_15 = arith.constant 128 : index
    %get3A_16 = vector.load %arg1[%get3A_14, %get3A_15] : memref<2000x144xf32, #tpu.memory_space<vmem>>, vector<2000x1xf32>
    %get3A_17 = arith.constant 0 : index
    %get3A_18 = arith.constant 0 : index
    %get3A_19 = vector.load %arg6[%get3A_17, %get3A_18] : memref<1x128xf32, #tpu.memory_space<vmem>>, vector<1x128xf32>
    %mul3A = vector.broadcast %get3A_16 : vector<2000x1xf32> to vector<2000x128xf32>
    %mul3A_20 = vector.broadcast %get3A_19 : vector<1x128xf32> to vector<2000x128xf32>
    %mul3A_21 = arith.mulf %mul3A, %mul3A_20 : vector<2000x128xf32>
    %add3A_22 = arith.addf %add3A, %mul3A_21 : vector<2000x128xf32>
    %get3A_23 = arith.constant 0 : index
    %get3A_24 = arith.constant 0 : index
    %get3A_25 = vector.load %arg3[%get3A_23, %get3A_24] : memref<2000x128xf32, #tpu.memory_space<vmem>>, vector<2000x128xf32>
    %get3A_26 = arith.constant 0 : index
    %get3A_27 = arith.constant 0 : index
    %get3A_28 = vector.load %arg7[%get3A_26, %get3A_27] : memref<128x256xf32, #tpu.memory_space<vmem>>, vector<128x256xf32>
    %dot_general3A_29 = arith.constant dense<0.000000e+00> : vector<2000x256xf32>
    %dot_general3A_30 = tpu.matmul %get3A_25, %get3A_28, %dot_general3A_29 {dimension_numbers = #tpu.dot_dimension_numbers<[1], [0], [0], [1], [0, 0, 1, 1], [], []>, transpose_lhs_hint = false} : vector<2000x128xf32>, vector<128x256xf32>, vector<2000x256xf32> -> vector<2000x256xf32>
    %get3A_31 = arith.constant 0 : index
    %get3A_32 = arith.constant 0 : index
    %get3A_33 = vector.load %arg8[%get3A_31, %get3A_32] : memref<128x256xf32, #tpu.memory_space<vmem>>, vector<128x256xf32>
    %dot_general3A_34 = arith.constant dense<0.000000e+00> : vector<2000x256xf32>
    %dot_general3A_35 = tpu.matmul %add3A_22, %get3A_33, %dot_general3A_34 {dimension_numbers = #tpu.dot_dimension_numbers<[1], [0], [0], [1], [0, 0, 1, 1], [], []>, transpose_lhs_hint = false} : vector<2000x128xf32>, vector<128x256xf32>, vector<2000x256xf32> -> vector<2000x256xf32>
    %add3A_36 = arith.addf %dot_general3A_30, %dot_general3A_35 : vector<2000x256xf32>
    %get3A_37 = arith.constant 0 : index
    %get3A_38 = arith.constant 0 : index
    %get3A_39 = vector.load %arg9[%get3A_37, %get3A_38] : memref<1x256xf32, #tpu.memory_space<vmem>>, vector<1x256xf32>
    %add3A_40 = vector.broadcast %get3A_39 : vector<1x256xf32> to vector<2000x256xf32>
    %add3A_41 = arith.addf %add3A_36, %add3A_40 : vector<2000x256xf32>
    %max3A = arith.constant 0.000000e+00 : f32
    %max3A_42 = vector.broadcast %max3A : f32 to vector<2000x256xf32>
    %max3A_43 = arith.maximumf %add3A_41, %max3A_42 : vector<2000x256xf32>
    %get3A_44 = arith.constant 0 : index
    %get3A_45 = arith.constant 0 : index
    %get3A_46 = vector.load %arg10[%get3A_44, %get3A_45] : memref<256x128xf32, #tpu.memory_space<vmem>>, vector<256x128xf32>
    %dot_general3A_47 = arith.constant dense<0.000000e+00> : vector<2000x128xf32>
    %dot_general3A_48 = tpu.matmul %max3A_43, %get3A_46, %dot_general3A_47 {dimension_numbers = #tpu.dot_dimension_numbers<[1], [0], [0], [1], [0, 0, 1, 1], [], []>, transpose_lhs_hint = false} : vector<2000x256xf32>, vector<256x128xf32>, vector<2000x128xf32> -> vector<2000x128xf32>
    %get3A_49 = arith.constant 0 : index
    %get3A_50 = arith.constant 0 : index
    %get3A_51 = vector.load %arg11[%get3A_49, %get3A_50] : memref<1x128xf32, #tpu.memory_space<vmem>>, vector<1x128xf32>
    %add3A_52 = vector.broadcast %get3A_51 : vector<1x128xf32> to vector<2000x128xf32>
    %add3A_53 = arith.addf %dot_general3A_48, %add3A_52 : vector<2000x128xf32>
    %get3A_54 = arith.constant 0 : index
    %get3A_55 = arith.constant 0 : index
    %get3A_56 = vector.load %arg12[%get3A_54, %get3A_55] : memref<128x128xf32, #tpu.memory_space<vmem>>, vector<128x128xf32>
    %dot_general3A_57 = arith.constant dense<0.000000e+00> : vector<2000x128xf32>
    %dot_general3A_58 = tpu.matmul %add3A_53, %get3A_56, %dot_general3A_57 {dimension_numbers = #tpu.dot_dimension_numbers<[1], [0], [0], [1], [0, 0, 1, 1], [], []>, transpose_lhs_hint = false} : vector<2000x128xf32>, vector<128x128xf32>, vector<2000x128xf32> -> vector<2000x128xf32>
    %get3A_59 = arith.constant 0 : index
    %get3A_60 = arith.constant 0 : index
    %get3A_61 = vector.load %arg13[%get3A_59, %get3A_60] : memref<1x128xf32, #tpu.memory_space<vmem>>, vector<1x128xf32>
    %add3A_62 = vector.broadcast %get3A_61 : vector<1x128xf32> to vector<2000x128xf32>
    %add3A_63 = arith.addf %dot_general3A_58, %add3A_62 : vector<2000x128xf32>
    %max3A_64 = arith.constant 0.000000e+00 : f32
    %max3A_65 = vector.broadcast %max3A_64 : f32 to vector<2000x128xf32>
    %max3A_66 = arith.maximumf %add3A_63, %max3A_65 : vector<2000x128xf32>
    %get3A_67 = arith.constant 0 : index
    %get3A_68 = arith.constant 0 : index
    %get3A_69 = vector.load %arg14[%get3A_67, %get3A_68] : memref<128x16xf32, #tpu.memory_space<vmem>>, vector<128x16xf32>
    %dot_general3A_70 = arith.constant dense<0.000000e+00> : vector<2000x16xf32>
    %dot_general3A_71 = tpu.matmul %max3A_66, %get3A_69, %dot_general3A_70 {dimension_numbers = #tpu.dot_dimension_numbers<[1], [0], [0], [1], [0, 0, 1, 1], [], []>, transpose_lhs_hint = false} : vector<2000x128xf32>, vector<128x16xf32>, vector<2000x16xf32> -> vector<2000x16xf32>
    %get3A_72 = arith.constant 0 : index
    %get3A_73 = arith.constant 0 : index
    %get3A_74 = vector.load %arg15[%get3A_72, %get3A_73] : memref<1x16xf32, #tpu.memory_space<vmem>>, vector<1x16xf32>
    %add3A_75 = vector.broadcast %get3A_74 : vector<1x16xf32> to vector<2000x16xf32>
    %add3A_76 = arith.addf %dot_general3A_71, %add3A_75 : vector<2000x16xf32>
    %swap3A = arith.constant 0 : index
    %swap3A_77 = arith.constant 0 : index
    %swap3A_78 = vector.load %arg16[%swap3A, %swap3A_77] : memref<2000x16xf32, #tpu.memory_space<vmem>>, vector<2000x16xf32>
    tpu.vector_store %arg16[%swap3A, %swap3A_77], %add3A_76 {strides = array<i32>} : memref<2000x16xf32, #tpu.memory_space<vmem>>, vector<2000x16xf32>,
    return
  }
  func.func @transform_0(%arg0: i32) -> (i32, i32) {
    %c0_i32 = arith.constant 0 : i32
    %c0_i32_0 = arith.constant 0 : i32
    return %arg0, %c0_i32 : i32, i32
  }
  func.func @transform_1(%arg0: i32) -> (i32, i32) {
    %c0_i32 = arith.constant 0 : i32
    %c0_i32_0 = arith.constant 0 : i32
    return %arg0, %c0_i32 : i32, i32
  }
  func.func @transform_2(%arg0: i32) -> (i32, i32) {
    %c0_i32 = arith.constant 0 : i32
    %c0_i32_0 = arith.constant 0 : i32
    return %arg0, %c0_i32 : i32, i32
  }
  func.func @transform_3(%arg0: i32) -> (i32, i32) {
    %c0_i32 = arith.constant 0 : i32
    %c0_i32_0 = arith.constant 0 : i32
    %c0_i32_1 = arith.constant 0 : i32
    return %c0_i32, %c0_i32_0 : i32, i32
  }
  func.func @transform_4(%arg0: i32) -> (i32, i32) {
    %c0_i32 = arith.constant 0 : i32
    %c0_i32_0 = arith.constant 0 : i32
    %c0_i32_1 = arith.constant 0 : i32
    return %c0_i32, %c0_i32_0 : i32, i32
  }
  func.func @transform_5(%arg0: i32) -> (i32, i32) {
    %c0_i32 = arith.constant 0 : i32
    %c0_i32_0 = arith.constant 0 : i32
    %c0_i32_1 = arith.constant 0 : i32
    return %c0_i32, %c0_i32_0 : i32, i32
  }
  func.func @transform_6(%arg0: i32) -> (i32, i32) {
    %c0_i32 = arith.constant 0 : i32
    %c0_i32_0 = arith.constant 0 : i32
    %c0_i32_1 = arith.constant 0 : i32
    return %c0_i32, %c0_i32_0 : i32, i32
  }
  func.func @transform_7(%arg0: i32) -> (i32, i32) {
    %c0_i32 = arith.constant 0 : i32
    %c0_i32_0 = arith.constant 0 : i32
    %c0_i32_1 = arith.constant 0 : i32
    return %c0_i32, %c0_i32_0 : i32, i32
  }
  func.func @transform_8(%arg0: i32) -> (i32, i32) {
    %c0_i32 = arith.constant 0 : i32
    %c0_i32_0 = arith.constant 0 : i32
    %c0_i32_1 = arith.constant 0 : i32
    return %c0_i32, %c0_i32_0 : i32, i32
  }
  func.func @transform_9(%arg0: i32) -> (i32, i32) {
    %c0_i32 = arith.constant 0 : i32
    %c0_i32_0 = arith.constant 0 : i32
    %c0_i32_1 = arith.constant 0 : i32
    return %c0_i32, %c0_i32_0 : i32, i32
  }
  func.func @transform_10(%arg0: i32) -> (i32, i32) {
    %c0_i32 = arith.constant 0 : i32
    %c0_i32_0 = arith.constant 0 : i32
    %c0_i32_1 = arith.constant 0 : i32
    return %c0_i32, %c0_i32_0 : i32, i32
  }
  func.func @transform_11(%arg0: i32) -> (i32, i32) {
    %c0_i32 = arith.constant 0 : i32
    %c0_i32_0 = arith.constant 0 : i32
    %c0_i32_1 = arith.constant 0 : i32
    return %c0_i32, %c0_i32_0 : i32, i32
  }
  func.func @transform_12(%arg0: i32) -> (i32, i32) {
    %c0_i32 = arith.constant 0 : i32
    %c0_i32_0 = arith.constant 0 : i32
    %c0_i32_1 = arith.constant 0 : i32
    return %c0_i32, %c0_i32_0 : i32, i32
  }
  func.func @transform_13(%arg0: i32) -> (i32, i32) {
    %c0_i32 = arith.constant 0 : i32
    %c0_i32_0 = arith.constant 0 : i32
    %c0_i32_1 = arith.constant 0 : i32
    return %c0_i32, %c0_i32_0 : i32, i32
  }
  func.func @transform_14(%arg0: i32) -> (i32, i32) {
    %c0_i32 = arith.constant 0 : i32
    %c0_i32_0 = arith.constant 0 : i32
    %c0_i32_1 = arith.constant 0 : i32
    return %c0_i32, %c0_i32_0 : i32, i32
  }
  func.func @transform_15(%arg0: i32) -> (i32, i32) {
    %c0_i32 = arith.constant 0 : i32
    %c0_i32_0 = arith.constant 0 : i32
    return %arg0, %c0_i32 : i32, i32
  }
}

</mosaic_0001>

<sc_bundles>
// kernel: kernel.5.cloned.1.call-start
scs
__scs_entry_jumppad:
0x0: {  	(pc) =	sbr.rel $0x88, $3  }
0x1: {  	(tag) =	ssettag $0x0;
	lr =	simm.s32 $0x1  }
0x2: {  	[smem:$0x3F87] =	sst lr;
	_ =	strace $0xD0000000  }
0x3: {  	_ = 	snop  }
0x4: {  	_ = 	snop  }
0x5: {  	_ = 	snop  }
0x6: {  	_ = 	snop  }
0x7: {  	_ = 	snop  }
__scs_overlays_trampoline_lowered:
0x8: {  	[smem:$0x3F96] =	sst s0  }
0x9: {  	[smem:$0x3F97] =	sst s1  }
0xa: {  	[smem:$0x3F98] =	sst s2  }
0xb: {  	[smem:$0x3F99] =	sst s3  }
0xc: {  	[smem:$0x3F9A] =	sst s4  }
0xd: {  	[smem:$0x3F9B] =	sst s5  }
0xe: {  	[smem:$0x3F9C] =	sst s6  }
0xf: {  	[smem:$0x3F9D] =	sst s7  }
0x10: {  	[smem:$0x3F9E] =	sst s8  }
0x11: {  	[smem:$0x3F9F] =	sst s9;
	s0 =	simm.s32 @!p0 $0x0  }
0x12: {  	s1 =	sld [smem:$0x3F85];
	s0 =	simm.s32 @p0 $0x1  }
0x13: {  	[smem:$0x3FA0] =	sst s0;
	s0 =	simm.s32 @!p1 $0x0  }
0x14: {  	s2 =	sld [smem:$0x3F84];
	s0 =	simm.s32 @p1 $0x1  }
0x15: {  	[smem:$0x3FA1] =	sst s0;
	s0 =	simm.s32 @!p2 $0x0  }
0x16: {  	s3 =	sld [smem:$0x3FDB];
	s0 =	simm.s32 @p2 $0x1  }
0x17: {  	s4 =	simm.s32 $0x1BF5;
	[smem:$0x3FA3] =	sst s0  }
0x18: {  	s0 =	sld [smem:$0x3F86];
	_ =	swait.ge [sflag:s4], $0x0  }
0x19: {  	s7 =	sld [smem:$0x3F87]  }
0x1a: {  	s8 =	sadd.s32 $0xFFFFE003, lr  }
0x1b: {  	s9 =	sadd.s32 $0xFFFFFEF7, lr;
	s5 =	simm.s32 $0xFFFFFFFF;
	p2 =	slt.u32 s8, $0xFFFFF086  }
0x1c: {  	p1 =	slt.u32 s9, $0xF7A;
	s5 =	simm.s32 @!p2 $0x0  }
0x1d: {  	s5 =	simm.s32 @p1 $0x1;
	p0 =	seq.s32 s7, s2  }
0x1e: {  	s7 =	smul.u32 @!p0 $0xF7A, s2;
	p2 =	seq.s32 @!p0 s5, $0x0  }
0x1f: {  	s9 =	smul.u32 $0xF7A, s1;
	s8 =	simm.s32 @!p0 $0x1BF5;
	p2 =	por !p2, p0  }
0x20: {  	[sflag:s8] =	ssyncset.s32 @!p0 $0xFFFFF086;
	s6 =	sadd.s32 @!p0 s3, s7;
	s7 =	simm.s32 @!p0 $0x108  }
0x21: {  	s3 =	sadd.s32 s3, s9;
	s6 =	sadd.s32 @!p0 $0x88, s6;
	s7 =	simm.s32 @p2 $0x1082  }
0x22: {  	[simem:s7], [sflag:s8] =	dma.local @!p0 [hbm:s6], $0xF7A  }
0x23: {  	s9 =	sor.u32 $0xD0000000, s2;
	s6 =	simm.s32 $0x108;
	_ =	swait.ge @!p0 [sflag:s8], $0x0  }
0x24: {  	s3 =	sadd.s32 $0x88, s3;
	s6 =	simm.s32 @!p1 $0x1082;
	[sflag:s4] =	ssyncset.s32 $0xFFFFF086  }
0x25: {  	[simem:s6], [sflag:s4] =	dma.local [hbm:s3], $0xF7A  }
0x26: {  	[smem:$0x3F87] =	sst s1;
	(tag) =	ssettag s2;
	_ =	strace s9  }
0x27: {  	s1 =	sld [smem:$0x3F97]  }
0x28: {  	s2 =	sld [smem:$0x3F98]  }
0x29: {  	s4 =	sld [smem:$0x3F9A]  }
0x2a: {  	p0 =	seq.s32 s5, $0x0;
	s5 =	sld [smem:$0x3F9B]  }
0x2b: {  	s6 =	sld [smem:$0x3F9C]  }
0x2c: {  	s7 =	sld [smem:$0x3F9D]  }
0x2d: {  	s3 =	simm.s32 $0x108;
	s8 =	sld [smem:$0x3F9E]  }
0x2e: {  	s3 =	simm.s32 @!p0 $0x1082;
	s9 =	sld [smem:$0x3F9F]  }
0x2f: {  	lr =	sadd.s32 s0, s3;
	s0 =	sld [smem:$0x3F96]  }
0x30: {  	s3 =	sld [smem:$0x3F99]  }
0x31: {  	[smem:$0x3FA2] =	sst s10  }
0x32: {  	s10 =	sld [smem:$0x3FA0];
	_ =	sdelay $0x3  }
0x33: {  	p0 =	seq.s32 s10, $0x1;
	s10 =	sld [smem:$0x3FA2];
	_ =	sdelay $0x3  }
0x34: {  	[smem:$0x3FA2] =	sst s10  }
0x35: {  	s10 =	sld [smem:$0x3FA1];
	_ =	sdelay $0x3  }
0x36: {  	p1 =	seq.s32 s10, $0x1;
	s10 =	sld [smem:$0x3FA2];
	_ =	sdelay $0x3  }
0x37: {  	[smem:$0x3FA2] =	sst s10  }
0x38: {  	s10 =	sld [smem:$0x3FA3]  }
0x39: {  	_ = 	snop;
	(pc) =	sbr.ind lr, $3  }
0x3a: {  	_ = 	snop  }
0x3b: {  	_ = 	snop  }
0x3c: {  	p2 =	seq.s32 s10, $0x1;
	s10 =	sld [smem:$0x3FA2]  }
0x3d: {  	_ =	shalt  }
0x3e: {  	_ =	shalt  }
0x3f: {  	_ =	shalt  }
0x40: {  	_ =	shalt  }
0x41: {  	_ =	shalt  }
0x42: {  	_ =	shalt  }
0x43: {  	_ =	shalt  }
0x44: {  	_ =	shalt  }
0x45: {  	_ =	shalt  }
0x46: {  	_ =	shalt  }
0x47: {  	_ =	shalt  }
0x48: {  	_ =	shalt  }
0x49: {  	_ =	shalt  }
0x4a: {  	_ =	shalt  }
0x4b: {  	_ =	shalt  }
0x4c: {  	_ =	shalt  }
0x4d: {  	_ =	shalt  }
0x4e: {  	_ =	shalt  }
0x4f: {  	_ =	shalt  }
0x50: {  	_ =	shalt  }
0x51: {  	_ =	shalt  }
0x52: {  	_ =	shalt  }
0x53: {  	_ =	shalt  }
0x54: {  	_ =	shalt  }
0x55: {  	_ =	shalt  }
0x56: {  	_ =	shalt  }
0x57: {  	_ =	shalt  }
0x58: {  	_ =	shalt  }
0x59: {  	_ =	shalt  }
0x5a: {  	_ =	shalt  }
0x5b: {  	_ =	shalt  }
0x5c: {  	_ =	shalt  }
0x5d: {  	_ =	shalt  }
0x5e: {  	_ =	shalt  }
0x5f: {  	_ =	shalt  }
0x60: {  	_ =	shalt  }
0x61: {  	_ =	shalt  }
0x62: {  	_ =	shalt  }
0x63: {  	_ =	shalt  }
0x64: {  	_ =	shalt  }
0x65: {  	_ =	shalt  }
0x66: {  	_ =	shalt  }
0x67: {  	_ =	shalt  }
0x68: {  	_ =	shalt  }
0x69: {  	_ =	shalt  }
0x6a: {  	_ =	shalt  }
0x6b: {  	_ =	shalt  }
0x6c: {  	_ =	shalt  }
0x6d: {  	_ =	shalt  }
0x6e: {  	_ =	shalt  }
0x6f: {  	_ =	shalt  }
0x70: {  	_ =	shalt  }
0x71: {  	_ =	shalt  }
0x72: {  	_ =	shalt  }
0x73: {  	_ =	shalt  }
0x74: {  	_ =	shalt  }
0x75: {  	_ =	shalt  }
0x76: {  	_ =	shalt  }
0x77: {  	_ =	shalt  }
0x78: {  	_ =	shalt  }
0x79: {  	_ =	shalt  }
0x7a: {  	_ =	shalt  }
0x7b: {  	_ =	shalt  }
0x7c: {  	_ =	shalt  }
0x7d: {  	_ =	shalt  }
0x7e: {  	_ =	shalt  }
0x7f: {  	_ =	shalt  }
0x80: {  	_ =	shalt  }
0x81: {  	_ =	shalt  }
0x82: {  	_ =	shalt  }
0x83: {  	_ =	shalt  }
0x84: {  	_ =	shalt  }
0x85: {  	_ =	shalt  }
0x86: {  	_ =	shalt  }
0x87: {  	_ =	shalt  }
.Lfunc_end0:
.L_simem_size_0:
called_computation_lowered:
.L_overlay_start_0:
0x88: {  	s2 =	sld [smem:$0x3FD9]  }
0x89: {  	s3 =	sld [smem:$0x3FFE];
	_ =	sdelay $0x1  }
0x8a: {  	s1 =	srdreg.scid  }
0x8b: {  	s0 =	sand.u32 $0x1, s1  }
0x8c: {  	s16 =	sshll.u32 s0, $0xA;
	s2 =	sadd.s32 s3, s2  }
0x8d: {  	s2 =	sadd.s32 s2, s16  }
0x8e: {  	[smem:$0x3FAE] =	sst s2  }
0x8f: {  	_ = 	snop  }
0x90: {  	(tm) =	ssettm $0x1  }
0x91: {  	s17 =	sld [smem:$0x3FFB];
	_ =	sdelay $0x3  }
0x92: {  	_ =	strace s17  }
0x93: {  	s2 =	sld [smem:$0x3FFC];
	_ =	sdelay $0x3  }
0x94: {  	_ =	strace s2  }
0x95: {  	s2 =	sld [smem:$0x3FFD];
	_ =	sdelay $0x3  }
0x96: {  	_ =	strace s2  }
0x97: {  	_ =	strace $0x8FFFFFFF  }
0x98: {  	s18 =	sld [smem:$0x3FDB];
	_ =	sdelay $0x1  }
0x99: {  	s19 =	simm.s32 $_scs_section_size  }
0x9a: {  	s4 =	simm.s32 $_size__tile_overlayer_lowered;
	s5 =	simm.s32 $_tile_overlayer_lowered  }
0x9b: {  	s22 =	simm.s32 $0x1BFF;
	s21 =	sshll.u32 s5, $0x1;
	s2 =	sadd.s32 s19, s18  }
0x9c: {  	s6 =	simm.s32 $0x0;
	s20 =	sshll.u32 s4, $0x1;
	s4 =	sadd.s32 s21, s2  }
0x9d: {  	[timem:s6], [sflag:s22] =	dma.local [hbm:s4], s20  }
0x9e: {  	_ =	swait.ge [sflag:s22], s20  }
0x9f: {  	s3 =	ssub.s32 $0x0, s20;
	[sflag:s22] =	ssyncset.done $0x0  }
0xa0: {  	[sflag:s22] =	ssyncadd.s32 s3;
	_ =	sdelay $0x1  }
0xa1: {  	s23 =	simm.s32 $0x1B8B  }
0xa2: {  	_ =	swait.ge [sflag:s23], $0x1  }
0xa3: {  	[sflag:s23] =	ssyncset.done $0x0  }
0xa4: {  	s25 =	simm.s32 $0x1B8E;
	s24 =	sld [smem:$0x3FFE];
	[sflag:s23] =	ssyncadd.s32 $0xFFFFFFFF  }
0xa5: {  	s26 =	simm.s32 $execute0_lowered;
	[smem:$0x3FD2] =	sst s25  }
0xa6: {  	s4 =	sshll.u32 s26, $0x1;
	_ =	strace $0x80000046;
	[dreg:$0x1] =	wrdreg $0xFFFFFFFF  }
0xa7: {  	s28 =	simm.s32 $_size_execute0_lowered;
	s2 =	sadd.s32 s2, s4;
	[dreg:$0x0] =	wrdreg $0x0  }
0xa8: {  	s4 =	sshll.u32 s28, $0x1;
	[dreg:$0x2] =	wrdreg s2  }
0xa9: {  	[dreg:$0x3] =	wrdreg s4  }
0xaa: {  	[dreg:$0x4] =	wrdreg $0xC0  }
0xab: {  	_ =	task [dreg:s6], $0x5FFFF  }
0xac: {  	[dreg:$0x1] =	wrdreg $0xFFFFFFFF  }
0xad: {  	[dreg:$0x0] =	wrdreg $0x60  }
0xae: {  	[dreg:$0x2] =	wrdreg s24  }
0xaf: {  	[dreg:$0x3] =	wrdreg $0x5BE00  }
0xb0: {  	[dreg:$0x4] =	wrdreg $0x9  }
0xb1: {  	_ =	task.clear_ibuf [dreg:s6], $0x5FFFF;
	_ =	strace $0x90000046  }
0xb2: {  	s29 =	simm.s32 $0x9;
	_ =	strace $0x80000048  }
0xb3: {  	_ =	swait.ge [sflag:s29], $0x1  }
0xb4: {  	[sflag:s29] =	ssyncadd.s32 $0xFFFFFFFF  }
0xb5: {  	_ =	strace $0x90000048  }
0xb6: {  	_ =	sfence  }
0xb7: {  	s30 =	sld [smem:$0x0];
	_ =	sdelay $0x2  }
0xb8: {  	s31 =	sshll.u32 s1, $0xD;
	s1 =	sshrl.u32 s1, $0x2  }
0xb9: {  	s3 =	sand.u32 $0x4000, s31;
	s1 =	sadd.s32 s1, s30  }
0xba: {  	s0 =	sor.u32 s3, s0;
	s1 =	sshll.u32 s1, $0x11  }
0xbb: {  	s0 =	sor.u32 s1, s0  }
0xbc: {  	s0 =	sadd.s32 $0x8F2B, s0  }
0xbd: {  	[sflag:s0] =	ssyncadd.remote.s32 $0x1  }
0xbe: {  	_ =	sfence.sel $0xFFFF  }
0xbf: {  	[dreg:$0x0] =	wrdreg $0xFFFFFFFF;
	(pc) =	sbr.abs _section_cstart, $3  }
0xc0: {  	[dreg:$0x1] =	wrdreg $0xFFFFFFFF  }
0xc1: {  	_ =	task.clear_ibuf [dreg:s6], $0x2FFFF;
	_ =	strace $0x9FFFFFFF  }
0xc2: {  	(tm) =	ssettm $0x7FFFFFFF  }
0xc3: {  	_ =	shalt  }
tec
execute0_lowered:
.L_overlay_start_1:
0x0: {  	(tag) =	ssettag $0x1  }
0x1: {  	s0 =	rddreg [dreg:$0x0]  }
0x2: {  	s2 =	rddreg [dreg:$0x1];
	s3 =	simm.s32 $0x0  }
0x3: {  	s16 =	stileid.u32;
	s4 =	srdreg.scid;
	s17 =	simm.s32 $0x6  }
0x4: {  	s18 =	simm.s32 $0x140;
	s19 =	simm.s32 $0x5;
	s20 =	simm.s32 $0x50  }
0x5: {  	s21 =	simm.s32 $0x1E0;
	s28 =	simm.s32 $0xF0;
	s29 =	simm.s32 $0x3  }
0x6: {  	s30 =	simm.s32 $0x4;
	s31 =	simm.s32 $0x0;
	s1 =	smul.u32 $0x16800, s16  }
0x7: {  	[smem:$0x7FF] =	sst s3;
	s8 =	sand.u32 $0x1, s4;
	s9 =	smul.u32 $0x2D00, s16  }
0x8: {  	s4 =	sadd.s32 $0x156800, s0;
	s5 =	sadd.s32 $0x1E000, s0;
	s6 =	sadd.s32 $0x76000, s0  }
0x9: {  	s7 =	sadd.s32 $0x4800, s0;
	s13 =	smul.u32 $0xFA, s16;
	s24 =	sshll.u32 s16, $0x6  }
0xa: {  	_ =	strace $0x80000047;
	s10 =	smul.u32 $0x2D000, s8;
	s14 =	ssub.s32 $0x2, s8  }
0xb: {  	s11 =	smul.u32 $0xFA0, s8;
	s12 =	sshrl.u32 s1, $0x3;
	s15 =	sshrl.u32 s14, $0x1  }
0xc: {  	s1 =	sadd.s32 s1, s2;
	s12 =	sadd.s32 s12, s0;
	s10 =	sadd.s32 s9, s10  }
0xd: {  	s8 =	sadd.s32 s13, s11;
	s9 =	smul.u32 $0x4E20, s16;
	s22 =	ssub.s32 s14, s15  }
0xe: {  	s11 =	sor.u32 $0x1C06, s24;
	s16 =	sshrl.u32 s1, $0x3;
	s24 =	simm.s32 $0x190  }
0xf: {  	s0 =	sadd.s32 s10, s0;
	s13 =	smul.u32 $0x14, s8;
	s23 =	sadd.s32 $0x9D200, s12  }
0x10: {  	s15 =	smax.u32 s22, $0x1;
	s22 =	simm.s32 $0x1;
	[dreg:$0x3] =	wrdreg s23  }
0x11: {  	s26 =	sshrl.u32 s9, $0x3;
	s14 =	sadd.s32 $0xCA200, s0;
	s25 =	sadd.s32 s6, s13  }
0x12: {  	s23 =	simm.s32 $0xA0;
	s12 =	sadd.s32 s7, s26;
	[dreg:$0x4] =	wrdreg s25  }
0x13: {  	s26 =	simm.s32 $0x2;
	[dreg:$0x5] =	wrdreg s12;
	s25 =	simm.s32 $0x2EE0  }
.LBB2_1:
0x14: {  	s0 =	rddreg [dreg:$0x3]  }
0x15: {  	[spmem:s16], [sflag:s11] =	dma.local [hbm:s0], $0x2D00  }
0x16: {  	_ =	swait.ge [sflag:s17], $0x2D00  }
0x17: {  	[sflag:s17] =	ssyncset.done $0x0  }
0x18: {  	[sflag:s17] =	ssyncadd.s32 $0xFFFFD300  }
0x19: {  	[bflag:$0x0] =	sbarrier.arrive $0xFFFF  }
0x1a: {  	s12 =	rddreg [dreg:$0x4]  }
0x1b: {  	[tilespmem:s3], [sflag:$0x5] =	stream.linear.gather [hbm4b:s12+s3], $0xA0, $0x38;
	[tilespmem:$0x1C3E0] =	vst v63  }
0x1c: {  	s13 =	rddreg [dreg:$0x5]  }
0x1d: {  	[tilespmem:s18], [sflag:$0x5] =	stream.linear.gather [hbm4b:s13+s3], $0x50, $0x38;
	[tilespmem:$0x1C3E0] =	vst v63  }
0x1e: {  	_ =	swait.ge [sflag:s19], $0xA0  }
0x1f: {  	[sflag:s19] =	ssyncset.done $0x0  }
0x20: {  	[sflag:s19] =	ssyncadd.s32 $0xFFFFFF60  }
0x21: {  	_ =	swait.ge [sflag:s19], $0x50  }
0x22: {  	[sflag:s19] =	ssyncset.done $0x0  }
0x23: {  	s0 =	simm.s32 $0x0;
	[sflag:s19] =	ssyncadd.s32 $0xFFFFFFB0  }
0x24: {  	[tilespmem:s21], [sflag:$0x1] =	stream.indirect.gather [hbm4b:s4+s20], $0x90, s3, s20, $0xb8;
	[tilespmem:$0x1C3E0] =	vst v63  }
.LBB2_2:
0x25: {  	_ =	swait.ge [sflag:s22], $0x2D00;
	s1 =	sshll.u32 s0, $0x1;
	p0 =	seq.s32 s0, $0x0  }
0x26: {  	[sflag:s22] =	ssyncset.done $0x0;
	s10 =	sor.u32 $0x1, s1;
	s12 =	simm.s32 @!p0 $0x4  }
0x27: {  	[sflag:s22] =	ssyncadd.s32 $0xFFFFD300;
	s13 =	sadd.s32 s8, s10;
	s10 =	smul.u32 $0x50, s10  }
0x28: {  	[tilespmem:s21], [sflag:$0x1] =	stream.indirect.gather.add.f32 [hbm:s5], $0x90, s20, s20, $0xb8;
	[tilespmem:$0x1C3E0] =	vst v63  }
0x29: {  	s13 =	smul.u32 $0x14, s13;
	_ =	swait.ge @!p0 [sflag:s12], $0x2D00  }
0x2a: {  	s10 =	sadd.s32 s9, s10;
	[sflag:s12] =	ssyncset.done @!p0 $0x0  }
0x2b: {  	s13 =	sadd.s32 s6, s13;
	s10 =	sshrl.u32 s10, $0x3;
	[sflag:s12] =	ssyncadd.s32 @!p0 $0xFFFFD300  }
0x2c: {  	[tilespmem:s23], [sflag:$0x5] =	stream.linear.gather [hbm4b:s13+s3], $0xA0, $0x38;
	[tilespmem:$0x1C3E0] =	vst v63  }
0x2d: {  	s10 =	sadd.s32 s7, s10  }
0x2e: {  	[tilespmem:s24], [sflag:$0x5] =	stream.linear.gather [hbm4b:s10+s3], $0x50, $0x38;
	[tilespmem:$0x1C3E0] =	vst v63  }
0x2f: {  	_ =	swait.ge [sflag:s19], $0xA0  }
0x30: {  	[sflag:s19] =	ssyncset.done $0x0  }
0x31: {  	[sflag:s19] =	ssyncadd.s32 $0xFFFFFF60  }
0x32: {  	_ =	swait.ge [sflag:s19], $0x50  }
0x33: {  	[sflag:s19] =	ssyncset.done $0x0  }
0x34: {  	[sflag:s19] =	ssyncadd.s32 $0xFFFFFFB0  }
0x35: {  	[tilespmem:s25], [sflag:$0x2] =	stream.indirect.gather [hbm4b:s4+s20], $0x90, s23, s20, $0xb8;
	[tilespmem:$0x1C3E0] =	vst v63  }
0x36: {  	_ =	swait.ge [sflag:s22], $0x2D00  }
0x37: {  	[sflag:s22] =	ssyncset.done $0x0  }
0x38: {  	s10 =	simm.s32 $0x270;
	[sflag:s22] =	ssyncadd.s32 $0xFFFFD300  }
0x39: {  	v1 =	vld [tilespmem:s10+$0x30]  }
0x3a: {  	v2 =	vld [tilespmem:s10+$0xFFFFFFC0]  }
0x3b: {  	v4 =	vld [tilespmem:s10+$0xFFFFFFB0]  }
0x3c: {  	v3 =	vld [tilespmem:s10+$0x60]  }
0x3d: {  	v5 =	vld [tilespmem:s10+$0xFFFFFF70]  }
0x3e: {  	v6 =	vld [tilespmem:s10+$0x70]  }
0x3f: {  	v8 =	vld [tilespmem:s10+$0xFFFFFF90]  }
0x40: {  	v9 =	vld [tilespmem:s10+$0xFFFFFF80]  }
0x41: {  	v0 =	vld [tilespmem:s10+$0x20];
	v3 =	vmax.f32 v3, $0.0e+00  }
0x42: {  	v7 =	vld [tilespmem:s10+$0xFFFFFFA0];
	v5 =	vmax.f32 v5, $0.0e+00;
	[tilespmem:s10+$0x60] =	vst v3  }
0x43: {  	v10 =	vld [tilespmem:s10+$0x0];
	v2 =	vmax.f32 v2, $0.0e+00;
	[tilespmem:s10+$0xFFFFFF70] =	vst v5  }
0x44: {  	v5 =	vmax.f32 v6, $0.0e+00;
	v3 =	vld [tilespmem:s10+$0x10];
	[tilespmem:s10+$0xFFFFFFC0] =	vst v2  }
0x45: {  	v1 =	vmax.f32 v1, $0.0e+00;
	[tilespmem:s10+$0x70] =	vst v5;
	v5 =	vld [tilespmem:s10+$0xFFFFFFE0]  }
0x46: {  	v2 =	vmax.f32 v4, $0.0e+00;
	v4 =	vld [tilespmem:s10+$0x50];
	[tilespmem:s10+$0x30] =	vst v1  }
0x47: {  	[tilespmem:s10+$0xFFFFFFB0] =	vst v2;
	v2 =	vmax.f32 v7, $0.0e+00;
	v7 =	vld [tilespmem:s10+$0x40]  }
0x48: {  	s12 =	simm.s32 $0x0;
	s13 =	simm.s32 $0x390;
	v1 =	vmax.f32 v9, $0.0e+00;
	v6 =	vld [tilespmem:s10+$0xFFFFFFD0];
	[tilespmem:s10+$0xFFFFFFA0] =	vst v2;
	v2 =	vmax.f32 v8, $0.0e+00;
	v8 =	vmax.f32 v10, $0.0e+00  }
.LBB2_3:
0x49: {  	v9 =	vld [tilespmem:s13+$0x30];
	s12 =	sadd.s32 $0x2, s12;
	[tilespmem:s10+$0x0] =	vst v8;
	v3 =	vmax.f32 v3, $0.0e+00;
	v0 =	vmax.f32 v0, $0.0e+00  }
0x4a: {  	v8 =	vld [tilespmem:s13+$0xFFFFFFC0];
	p0 =	slt.u32 s12, $0x4E;
	v5 =	vmax.f32 v5, $0.0e+00;
	[tilespmem:s10+$0x10] =	vst v3  }
0x4b: {  	v10 =	vld [tilespmem:s13+$0xFFFFFFB0];
	[tilespmem:s10+$0xFFFFFFE0] =	vst v5;
	v3 =	vmax.f32 v4, $0.0e+00  }
0x4c: {  	v4 =	vld [tilespmem:s13+$0x60];
	v5 =	vmax.f32 v7, $0.0e+00;
	[tilespmem:s10+$0x50] =	vst v3  }
0x4d: {  	v3 =	vld [tilespmem:s13+$0xFFFFFF70];
	[tilespmem:s10+$0xFFFFFF90] =	vst v2;
	v2 =	vmax.f32 v6, $0.0e+00  }
0x4e: {  	v6 =	vmax.f32 v9, $0.0e+00;
	v7 =	vld [tilespmem:s13+$0x70];
	[tilespmem:s10+$0x40] =	vst v5  }
0x4f: {  	v9 =	vld [tilespmem:s13+$0xFFFFFF90];
	[tilespmem:s10+$0xFFFFFF80] =	vst v1  }
0x50: {  	v1 =	vld [tilespmem:s13+$0xFFFFFF80];
	[tilespmem:s10+$0x20] =	vst v0  }
0x51: {  	v0 =	vld [tilespmem:s13+$0x20];
	v4 =	vmax.f32 v4, $0.0e+00;
	[tilespmem:s10+$0xFFFFFFD0] =	vst v2;
	s10 =	smov.u32 s13  }
0x52: {  	v2 =	vmax.f32 v3, $0.0e+00;
	v11 =	vld [tilespmem:s13+$0xFFFFFFA0];
	[tilespmem:s13+$0x60] =	vst v4  }
0x53: {  	[tilespmem:s13+$0xFFFFFF70] =	vst v2;
	v12 =	vld [tilespmem:s13+$0x0];
	v2 =	vmax.f32 v7, $0.0e+00  }
.Ltmp0:
0x54: {  	v4 =	vmax.f32 v8, $0.0e+00;
	v3 =	vld [tilespmem:s13+$0x10];
	[tilespmem:s13+$0x70] =	vst v2;
	(pc) =	sbr.rel @p0 .LBB2_3-.Ltmp0, $4  }
0x55: {  	v2 =	vmax.f32 v10, $0.0e+00;
	[tilespmem:s13+$0xFFFFFFC0] =	vst v4;
	v5 =	vld [tilespmem:s13+$0xFFFFFFE0]  }
0x56: {  	[tilespmem:s13+$0xFFFFFFB0] =	vst v2;
	v4 =	vld [tilespmem:s13+$0x50]  }
0x57: {  	v2 =	vmax.f32 v9, $0.0e+00;
	v8 =	vmax.f32 v11, $0.0e+00;
	[tilespmem:s13+$0x30] =	vst v6;
	v7 =	vld [tilespmem:s13+$0x40]  }
0x58: {  	v1 =	vmax.f32 v1, $0.0e+00;
	s13 =	sadd.s32 $0x120, s13;
	[tilespmem:s10+$0xFFFFFFA0] =	vst v8;
	v6 =	vld [tilespmem:s10+$0xFFFFFFD0];
	v8 =	vmax.f32 v12, $0.0e+00  }
0x59: {  	[tilespmem:s10+$0x0] =	vst v8  }
0x5a: {  	[tilespmem:s10+$0xFFFFFF90] =	vst v2  }
0x5b: {  	v3 =	vmax.f32 v3, $0.0e+00;
	[tilespmem:s10+$0xFFFFFF80] =	vst v1  }
0x5c: {  	v0 =	vmax.f32 v0, $0.0e+00;
	[tilespmem:s10+$0x10] =	vst v3  }
0x5d: {  	v5 =	vmax.f32 v5, $0.0e+00;
	[tilespmem:s10+$0x20] =	vst v0  }
0x5e: {  	[tilespmem:s10+$0xFFFFFFE0] =	vst v5;
	v3 =	vmax.f32 v4, $0.0e+00  }
0x5f: {  	[tilespmem:s10+$0x50] =	vst v3;
	v3 =	vmax.f32 v7, $0.0e+00  }
0x60: {  	[tilespmem:s10+$0x40] =	vst v3;
	v1 =	vmax.f32 v6, $0.0e+00  }
0x61: {  	[tilespmem:s10+$0xFFFFFFD0] =	vst v1  }
0x62: {  	[spmem:s2] =	stream.indirect.scatter.add.f32 [tilespmem:s21], [sflag:$0x3], $0x90, s18, s20, $0xb8;
	[tilespmem:$0x1C3E0] =	vst v63  }
0x63: {  	p0 =	seq.s32 s0, $0x7C;
	_ =	swait.ge [sflag:s26], $0x2D00  }
0x64: {  	s1 =	sadd.s32 @!p0 $0x2, s1;
	[sflag:s26] =	ssyncset.done $0x0  }
0x65: {  	s10 =	sadd.s32 @!p0 s8, s1;
	s1 =	smul.u32 @!p0 $0x50, s1;
	[sflag:s26] =	ssyncadd.s32 $0xFFFFD300  }
0x66: {  	[tilespmem:s25], [sflag:$0x2] =	stream.indirect.gather.add.f32 [hbm:s5], $0x90, s28, s20, $0xb8;
	[tilespmem:$0x1C3E0] =	vst v63  }
0x67: {  	s10 =	smul.u32 @!p0 $0x14, s10;
	_ =	swait.ge [sflag:s29], $0x2D00  }
0x68: {  	s12 =	simm.s32 @!p0 $0x0;
	s1 =	sadd.s32 @!p0 s9, s1;
	[sflag:s29] =	ssyncset.done $0x0  }
0x69: {  	s10 =	sadd.s32 @!p0 s6, s10;
	s1 =	sshrl.u32 @!p0 s1, $0x3;
	[sflag:s29] =	ssyncadd.s32 $0xFFFFD300  }
0x6a: {  	[tilespmem:s12], [sflag:$0x5] =	stream.linear.gather @!p0 [hbm4b:s10+s12], $0xA0, $0x38;
	[tilespmem:$0x1C3E0] =	vst v63  }
0x6b: {  	s1 =	sadd.s32 @!p0 s7, s1;
	s10 =	simm.s32 @!p0 $0x140  }
0x6c: {  	[tilespmem:s10], [sflag:$0x5] =	stream.linear.gather @!p0 [hbm4b:s1+s12], $0x50, $0x38;
	[tilespmem:$0x1C3E0] =	vst v63  }
0x6d: {  	s1 =	simm.s32 @!p0 $0x5  }
0x6e: {  	_ =	swait.ge @!p0 [sflag:s1], $0xA0  }
0x6f: {  	[sflag:s1] =	ssyncset.done @!p0 $0x0  }
0x70: {  	[sflag:s1] =	ssyncadd.s32 @!p0 $0xFFFFFF60  }
0x71: {  	_ =	swait.ge @!p0 [sflag:s1], $0x50  }
0x72: {  	[sflag:s1] =	ssyncset.done @!p0 $0x0  }
0x73: {  	s10 =	simm.s32 @!p0 $0x1E0;
	[sflag:s1] =	ssyncadd.s32 @!p0 $0xFFFFFFB0;
	s1 =	simm.s32 @!p0 $0x50  }
0x74: {  	[tilespmem:s10], [sflag:$0x1] =	stream.indirect.gather @!p0 [hbm4b:s4+s1], $0x90, s12, s1, $0xb8;
	[tilespmem:$0x1C3E0] =	vst v63  }
0x75: {  	_ =	swait.ge [sflag:s26], $0x2D00  }
0x76: {  	[sflag:s26] =	ssyncset.done $0x0  }
0x77: {  	s1 =	simm.s32 $0x2F70;
	[sflag:s26] =	ssyncadd.s32 $0xFFFFD300  }
0x78: {  	v1 =	vld [tilespmem:s1+$0x30]  }
0x79: {  	v2 =	vld [tilespmem:s1+$0xFFFFFFC0]  }
0x7a: {  	v4 =	vld [tilespmem:s1+$0xFFFFFFB0]  }
0x7b: {  	v3 =	vld [tilespmem:s1+$0x60]  }
0x7c: {  	v5 =	vld [tilespmem:s1+$0xFFFFFF70]  }
0x7d: {  	v6 =	vld [tilespmem:s1+$0x70]  }
0x7e: {  	v8 =	vld [tilespmem:s1+$0xFFFFFF90]  }
0x7f: {  	v9 =	vld [tilespmem:s1+$0xFFFFFF80]  }
0x80: {  	v0 =	vld [tilespmem:s1+$0x20];
	v3 =	vmax.f32 v3, $0.0e+00  }
0x81: {  	v7 =	vld [tilespmem:s1+$0xFFFFFFA0];
	v5 =	vmax.f32 v5, $0.0e+00;
	[tilespmem:s1+$0x60] =	vst v3  }
0x82: {  	v10 =	vld [tilespmem:s1+$0x0];
	v2 =	vmax.f32 v2, $0.0e+00;
	[tilespmem:s1+$0xFFFFFF70] =	vst v5  }
0x83: {  	v5 =	vmax.f32 v6, $0.0e+00;
	v3 =	vld [tilespmem:s1+$0x10];
	[tilespmem:s1+$0xFFFFFFC0] =	vst v2  }
0x84: {  	v1 =	vmax.f32 v1, $0.0e+00;
	[tilespmem:s1+$0x70] =	vst v5;
	v5 =	vld [tilespmem:s1+$0xFFFFFFE0]  }
0x85: {  	v2 =	vmax.f32 v4, $0.0e+00;
	v4 =	vld [tilespmem:s1+$0x50];
	[tilespmem:s1+$0x30] =	vst v1  }
0x86: {  	[tilespmem:s1+$0xFFFFFFB0] =	vst v2;
	v2 =	vmax.f32 v7, $0.0e+00;
	v7 =	vld [tilespmem:s1+$0x40]  }
0x87: {  	s10 =	simm.s32 $0x0;
	s12 =	simm.s32 $0x3090;
	v1 =	vmax.f32 v9, $0.0e+00;
	v6 =	vld [tilespmem:s1+$0xFFFFFFD0];
	[tilespmem:s1+$0xFFFFFFA0] =	vst v2;
	v2 =	vmax.f32 v8, $0.0e+00;
	v8 =	vmax.f32 v10, $0.0e+00  }
.LBB2_5:
0x88: {  	v9 =	vld [tilespmem:s12+$0x30];
	s10 =	sadd.s32 $0x2, s10;
	[tilespmem:s1+$0x0] =	vst v8;
	v3 =	vmax.f32 v3, $0.0e+00;
	v0 =	vmax.f32 v0, $0.0e+00  }
0x89: {  	v8 =	vld [tilespmem:s12+$0xFFFFFFC0];
	p0 =	slt.u32 s10, $0x4E;
	v5 =	vmax.f32 v5, $0.0e+00;
	[tilespmem:s1+$0x10] =	vst v3  }
0x8a: {  	v10 =	vld [tilespmem:s12+$0xFFFFFFB0];
	[tilespmem:s1+$0xFFFFFFE0] =	vst v5;
	v3 =	vmax.f32 v4, $0.0e+00  }
0x8b: {  	v4 =	vld [tilespmem:s12+$0x60];
	v5 =	vmax.f32 v7, $0.0e+00;
	[tilespmem:s1+$0x50] =	vst v3  }
0x8c: {  	v3 =	vld [tilespmem:s12+$0xFFFFFF70];
	[tilespmem:s1+$0xFFFFFF90] =	vst v2;
	v2 =	vmax.f32 v6, $0.0e+00  }
0x8d: {  	v6 =	vmax.f32 v9, $0.0e+00;
	v7 =	vld [tilespmem:s12+$0x70];
	[tilespmem:s1+$0x40] =	vst v5  }
0x8e: {  	v9 =	vld [tilespmem:s12+$0xFFFFFF90];
	[tilespmem:s1+$0xFFFFFF80] =	vst v1  }
0x8f: {  	v1 =	vld [tilespmem:s12+$0xFFFFFF80];
	[tilespmem:s1+$0x20] =	vst v0  }
0x90: {  	v0 =	vld [tilespmem:s12+$0x20];
	v4 =	vmax.f32 v4, $0.0e+00;
	[tilespmem:s1+$0xFFFFFFD0] =	vst v2;
	s1 =	smov.u32 s12  }
0x91: {  	v2 =	vmax.f32 v3, $0.0e+00;
	v11 =	vld [tilespmem:s12+$0xFFFFFFA0];
	[tilespmem:s12+$0x60] =	vst v4  }
0x92: {  	[tilespmem:s12+$0xFFFFFF70] =	vst v2;
	v12 =	vld [tilespmem:s12+$0x0];
	v2 =	vmax.f32 v7, $0.0e+00  }
.Ltmp1:
0x93: {  	v4 =	vmax.f32 v8, $0.0e+00;
	v3 =	vld [tilespmem:s12+$0x10];
	[tilespmem:s12+$0x70] =	vst v2;
	(pc) =	sbr.rel @p0 .LBB2_5-.Ltmp1, $4  }
0x94: {  	v2 =	vmax.f32 v10, $0.0e+00;
	[tilespmem:s12+$0xFFFFFFC0] =	vst v4;
	v5 =	vld [tilespmem:s12+$0xFFFFFFE0]  }
0x95: {  	[tilespmem:s12+$0xFFFFFFB0] =	vst v2;
	v4 =	vld [tilespmem:s12+$0x50]  }
0x96: {  	v2 =	vmax.f32 v9, $0.0e+00;
	v8 =	vmax.f32 v11, $0.0e+00;
	[tilespmem:s12+$0x30] =	vst v6;
	v7 =	vld [tilespmem:s12+$0x40]  }
0x97: {  	v1 =	vmax.f32 v1, $0.0e+00;
	s12 =	sadd.s32 $0x120, s12;
	[tilespmem:s1+$0xFFFFFFA0] =	vst v8;
	v6 =	vld [tilespmem:s1+$0xFFFFFFD0];
	v8 =	vmax.f32 v12, $0.0e+00  }
0x98: {  	[tilespmem:s1+$0x0] =	vst v8  }
0x99: {  	[tilespmem:s1+$0xFFFFFF90] =	vst v2  }
0x9a: {  	v3 =	vmax.f32 v3, $0.0e+00;
	[tilespmem:s1+$0xFFFFFF80] =	vst v1  }
0x9b: {  	v0 =	vmax.f32 v0, $0.0e+00;
	s0 =	sadd.s32 $0x1, s0;
	[tilespmem:s1+$0x10] =	vst v3  }
0x9c: {  	v5 =	vmax.f32 v5, $0.0e+00;
	[tilespmem:s1+$0x20] =	vst v0;
	p0 =	sne.s32 s0, $0x7D  }
.Ltmp2:
0x9d: {  	[tilespmem:s1+$0xFFFFFFE0] =	vst v5;
	v61 =	vmax.f32 v4, $0.0e+00;
	(pc) =	sbr.rel @p0 .LBB2_2-.Ltmp2, $4  }
0x9e: {  	[tilespmem:s1+$0x50] =	vst v61;
	v62 =	vmax.f32 v7, $0.0e+00  }
0x9f: {  	[tilespmem:s1+$0x40] =	vst v62;
	v63 =	vmax.f32 v6, $0.0e+00  }
0xa0: {  	[tilespmem:s1+$0xFFFFFFD0] =	vst v63  }
0xa1: {  	[spmem:s2] =	stream.indirect.scatter.add.f32 [tilespmem:s25], [sflag:$0x4], $0x90, s24, s20, $0xb8;
	[tilespmem:$0x1C3E0] =	vst v63  }
0xa2: {  	_ =	swait.ge [sflag:s30], $0x2D00  }
0xa3: {  	s31 =	sadd.s32 $0x1, s31;
	[sflag:s30] =	ssyncset.done $0x0  }
0xa4: {  	p0 =	sne.s32 s31, s15;
	[sflag:s30] =	ssyncadd.s32 $0xFFFFD300  }
.Ltmp3:
0xa5: {  	[bflag:$0x0] =	sbarrier.arrive $0xFFFF;
	(pc) =	sbr.rel @p0 .LBB2_1-.Ltmp3, $4  }
0xa6: {  	[hbm:s14], [sflag:s11] =	dma.local [spmem:s16], $0x2D00  }
0xa7: {  	_ =	swait.ge [sflag:s17], $0x2D00  }
0xa8: {  	[sflag:s17] =	ssyncset.done $0x0  }
0xa9: {  	[sflag:s17] =	ssyncadd.s32 $0xFFFFD300  }
0xaa: {  	_ =	sfence.sel $0x180000  }
0xab: {  	[bflag:$0x0] =	sbarrier.arrive $0xFFFF  }
0xac: {  	_ =	strace $0x90000047  }
0xad: {  	s0 =	stileid.u32;
	[bflag:$0x2] =	sbarrier.arrive $0xFFFF  }
0xae: {  	p0 =	sne.s32 s0, $0x0;
	s0 =	rddreg [dreg:$0x2]  }
0xaf: {  	s0 =	sadd.s32 @!p0 $0x100000, s0  }
0xb0: {  	[sflag:s0] =	ssyncadd.tile.s32 @!p0 $0x1;
	_ =	shalt  }
.Lfunc_end2:
_tile_overlayer_lowered:
.L_overlay_start_2:
0xb1: {  	(tag) =	ssettag $0x2  }
0xb2: {  	s0 =	rddreg [dreg:$0x0];
	s2 =	stileid.u32  }
0xb3: {  	s1 =	rddreg [dreg:$0x1];
	p0 =	sne.s32 s2, $0x0  }
0xb4: {  	s3 =	rddreg [dreg:$0x2];
	[bflag:$0x3] =	sbarrier.arrive $0xFFFF;
	s2 =	simm.s32 @!p0 $0x1C06  }
0xb5: {  	[timem:s3], [sflag:s2] =	dma.local @!p0 [hbm:s0], s1  }
0xb6: {  	s0 =	simm.s32 @!p0 $0x6  }
0xb7: {  	_ =	swait.ge @!p0 [sflag:s0], s1  }
0xb8: {  	s1 =	ssub.s32 @!p0 $0x0, s1;
	[sflag:s0] =	ssyncset.done @!p0 $0x0  }
0xb9: {  	[sflag:s0] =	ssyncadd.s32 @!p0 s1  }
0xba: {  	[bflag:$0x3] =	sbarrier.arrive $0xFFFF  }
0xbb: {  	_ =	shalt  }

</sc_bundles>
